<compile_context>
chip_gen: v7x
topology: tpu7x:2x2x1
jax: 0.10.2.dev20260603
libtpu: 0.0.44.dev20260713+nightly
codegen_flags: <defaults>
</compile_context>

<pallas_src>
import functools
import math

import jax
import jax.numpy as jnp
from jax import lax
from jax.experimental import pallas as pl
from jax.experimental.pallas import tpu as pltpu
from jax.experimental.pallas import tpu_sc as plsc

_B, _N, _K = 16, 2048, 20
_H1, _H2 = 64, 128
_Q = _H2 // 4
_EPS = 1e-5
_R = 512
_CHUNK = 2048

_HIGH = lax.Precision.HIGHEST


def _dot(a, b):
    return lax.dot_general(a, b, (((1,), (0,)), ((), ())),
                           precision=_HIGH, preferred_element_type=jnp.float32)


def _knn_kernel(ptsT_ref, ptsR_ref, at_ref, idx_ref, u_ref):
    bb = pl.program_id(0)
    t = pl.program_id(1)
    ptsT = ptsT_ref[0]
    Xi = ptsR_ref[0]

    u_ref[...] = _dot(Xi, at_ref[...]).astype(jnp.bfloat16)

    xxj = jnp.sum(ptsT * ptsT, axis=0, keepdims=True)
    xxi = jnp.sum(Xi * Xi, axis=1, keepdims=True)
    inner = -2.0 * lax.dot_general(
        Xi.astype(jnp.bfloat16), ptsT.astype(jnp.bfloat16),
        (((1,), (0,)), ((), ())), preferred_element_type=jnp.float32)
    P = -xxi - inner - xxj

    lane = lax.broadcasted_iota(jnp.int32, (_R, _N), 1)
    neg = jnp.float32(-jnp.inf)
    rid = lax.broadcasted_iota(jnp.int32, (_R, _N), 0) + t * _R
    P = jnp.where(lane == rid, neg, P)
    kiota = lax.broadcasted_iota(jnp.int32, (_R, _K), 1)
    cols = jnp.where(kiota == 0,
                     lax.broadcasted_iota(jnp.int32, (_R, _K), 0)
                     + (t * _R + bb * _N), 0)
    for k in range(1, _K):
        am = jnp.argmax(P, axis=1)[:, None]
        sel = lane == am
        cols = jnp.where(kiota == k, am + bb * _N, cols)
        P = jnp.where(sel, neg, P)
    idx_ref[...] = cols


def _edge_kernel(g_ref, ptsR_ref, ct_ref, g1_ref, b1_ref,
                 encT_ref, g2_ref, b2_ref, wbigT_ref, qb_ref, ssel_ref,
                 clsT_ref, clsb_ref, out_ref, amax_ref, asum_ref):
    t = pl.program_id(1)
    n_t = pl.num_programs(1)
    Xi = ptsR_ref[0]

    Mxb = g_ref[0]
    Mnb = Mxb
    for k in range(1, _K):
        u = g_ref[k]
        Mxb = jnp.maximum(Mxb, u)
        Mnb = jnp.minimum(Mnb, u)
    Mx = Mxb.astype(jnp.float32)
    Mn = Mnb.astype(jnp.float32)

    Vi = _dot(Xi, ct_ref[...])
    g1 = g1_ref[...]
    zx = g1 * (Mx + Vi) + b1_ref[...]
    zn = g1 * (Mn + Vi) + b1_ref[...]
    z = jnp.where(g1 >= 0.0, zx, zn)
    edge = jnp.where(z > 0.0, z, 0.2 * z)

    e = g2_ref[...] * _dot(edge, encT_ref[...]) + b2_ref[...]
    e = 0.5 * e * (1.0 + lax.erf(e * (1.0 / math.sqrt(2.0))))

    mixed = _dot(e, wbigT_ref[...]) + qb_ref[...]
    merged = _dot(mixed * mixed, ssel_ref[...])

    pmax = jnp.max(merged, axis=0, keepdims=True)
    psum = jnp.sum(merged, axis=0, keepdims=True)

    @pl.when(t == 0)
    def _():
        amax_ref[...] = pmax
        asum_ref[...] = psum

    @pl.when(t > 0)
    def _():
        amax_ref[...] = jnp.maximum(amax_ref[...], pmax)
        asum_ref[...] = asum_ref[...] + psum

    @pl.when(t == n_t - 1)
    def _():
        fmax = amax_ref[...]
        fmean = asum_ref[...] * (1.0 / _N)
        clsT = clsT_ref[...]
        logits = _dot(fmax, clsT[:_Q]) + _dot(fmean, clsT[_Q:]) + clsb_ref[...]
        out_ref[0] = logits


def _make_sc_gather(total):
    info = plsc.get_sparse_core_info()
    nc, ns = info.num_cores, info.num_subcores
    nw = nc * ns
    per_w = total // nw
    n_chunks = per_w // _CHUNK
    mesh = plsc.VectorSubcoreMesh(core_axis_name="c", subcore_axis_name="s")

    @functools.partial(
        pl.kernel, mesh=mesh,
        out_type=jax.ShapeDtypeStruct((total, _H1), jnp.bfloat16),
        compiler_params=pltpu.CompilerParams(use_tc_tiling_on_sc=False),
        scratch_types=[
            pltpu.VMEM((_CHUNK,), jnp.int32),
            pltpu.VMEM((_CHUNK, _H1), jnp.bfloat16),
            pltpu.SemaphoreType.DMA,
        ],
    )
    def sc_gather(idx_hbm, table_hbm, out_hbm, idx_v, rows_v, sem):
        wid = lax.axis_index("s") * nc + lax.axis_index("c")
        base = wid * per_w
        for c in range(n_chunks):
            off = base + c * _CHUNK
            pltpu.sync_copy(idx_hbm.at[pl.ds(off, _CHUNK)], idx_v)
            pltpu.async_copy(table_hbm.at[idx_v], rows_v, sem).wait()
            pltpu.sync_copy(rows_v, out_hbm.at[pl.ds(off, _CHUNK)])

    return sc_gather


def _run_knn(ptsT_h, pts_h, at, bh):
    n_t = _N // _R
    return pl.pallas_call(
        _knn_kernel,
        grid=(bh, n_t),
        in_specs=[
            pl.BlockSpec((1, 4, _N), lambda bb, tt: (bb, 0, 0)),
            pl.BlockSpec((1, _R, 4), lambda bb, tt: (bb, tt, 0)),
            pl.BlockSpec((4, _H1), lambda bb, tt: (0, 0)),
        ],
        out_specs=[
            pl.BlockSpec((_R, _K), lambda bb, tt: (bb * n_t + tt, 0)),
            pl.BlockSpec((_R, _H1), lambda bb, tt: (bb * n_t + tt, 0)),
        ],
        out_shape=[
            jax.ShapeDtypeStruct((bh * _N, _K), jnp.int32),
            jax.ShapeDtypeStruct((bh * _N, _H1), jnp.bfloat16),
        ],
        compiler_params=pltpu.CompilerParams(
            dimension_semantics=("arbitrary", "arbitrary"),
        ),
    )(ptsT_h, pts_h, at)


def kernel(inputs, edgeconv_w, bn1_gamma, bn1_beta, enc_w, bn2_gamma, bn2_beta,
           wr, wi, wj, wk, quat_bias, cls_w, cls_b):
    b = inputs.shape[0]
    points = inputs[..., :4].reshape(b, -1, 4)
    ptsT = jnp.transpose(points, (0, 2, 1))
    at = edgeconv_w[:, :4].T

    nh = 2
    bh = b // nh
    gathered_halves = []
    for h in range(nh):
        idx_h, utab_h = _run_knn(ptsT[h * bh:(h + 1) * bh],
                                 points[h * bh:(h + 1) * bh], at, bh)
        idxT_h = idx_h.T.reshape(-1)
        g_h = _make_sc_gather(_K * bh * _N)(idxT_h, utab_h)
        gathered_halves.append(g_h.reshape(_K, bh * _N, _H1))

    s1 = 1.0 / math.sqrt(1.0 + _EPS)
    ct = (edgeconv_w[:, 4:] - edgeconv_w[:, :4]).T
    g1 = (bn1_gamma * s1).reshape(1, _H1)
    b1 = bn1_beta.reshape(1, _H1)
    encT = enc_w.T
    g2 = (bn2_gamma * s1).reshape(1, _H2)
    b2 = bn2_beta.reshape(1, _H2)
    wbig = jnp.block([
        [wr, -wi, -wj, -wk],
        [wi, wr, wk, -wj],
        [wj, -wk, wr, wi],
        [wk, wj, -wi, wr],
    ])
    wbigT = wbig.T
    qb = quat_bias.reshape(1, _H2)
    ch = jnp.arange(_H2)
    ssel = (ch[:, None] // 4 == jnp.arange(_Q)[None, :]).astype(jnp.float32)
    clsT = cls_w.T
    clsb = cls_b.reshape(1, -1)

    const = lambda *s: pl.BlockSpec(s, lambda bb, tt: (0,) * len(s))
    n_t = _N // _R
    outs = []
    for h in range(nh):
        out_h = pl.pallas_call(
            _edge_kernel,
            grid=(bh, n_t),
            in_specs=[
                pl.BlockSpec((_K, _R, _H1),
                             lambda bb, tt: (0, bb * n_t + tt, 0)),
                pl.BlockSpec((1, _R, 4), lambda bb, tt: (bb, tt, 0)),
                const(4, _H1), const(1, _H1), const(1, _H1),
                const(_H1, _H2), const(1, _H2), const(1, _H2),
                const(_H2, _H2), const(1, _H2), const(_H2, _Q),
                const(2 * _Q, cls_w.shape[0]), const(1, cls_w.shape[0]),
            ],
            out_specs=pl.BlockSpec((1, 1, cls_w.shape[0]),
                                   lambda bb, tt: (bb, 0, 0)),
            out_shape=jax.ShapeDtypeStruct((bh, 1, cls_w.shape[0]),
                                           jnp.float32),
            scratch_shapes=[
                pltpu.VMEM((1, _Q), jnp.float32),
                pltpu.VMEM((1, _Q), jnp.float32),
            ],
            compiler_params=pltpu.CompilerParams(
                dimension_semantics=("arbitrary", "arbitrary"),
            ),
        )(gathered_halves[h], points[h * bh:(h + 1) * bh], ct, g1, b1,
          encT, g2, b2, wbigT, qb, ssel, clsT, clsb)
        outs.append(out_h.reshape(bh, cls_w.shape[0]))
    return jnp.concatenate(outs, axis=0)

# --- scband reference (transcript-rebuilt; emitter-appended) ---
"""Pipeline reference for scband-edge-conv-quaternion-merge-motion-76836964926175 (READ-ONLY COPY).

The authoritative reference and input builder live on the scoring server;
editing this copy changes nothing except your own understanding.
"""

import jax, jax.numpy as jnp
import numpy as np

B, N, K = 16, 2048, 20
H1, H2 = 64, 128
Q = H2 // 4  # 32
NUM_CLASSES = 40
EPS = 1e-5


def setup_inputs(seed: int = 0) -> dict:
    key = jax.random.key(seed)
    ks = jax.random.split(key, 10)
    s = 0.02
    return {
        "inputs": jax.random.normal(ks[0], (B, 1, N, 4), dtype=jnp.float32),
        "edgeconv_w": jax.random.normal(ks[1], (H1, 8), dtype=jnp.float32) * s,
        "bn1_gamma": jnp.ones((H1,), jnp.float32),
        "bn1_beta": jnp.zeros((H1,), jnp.float32),
        "enc_w": jax.random.normal(ks[2], (H2, H1), dtype=jnp.float32) * s,
        "bn2_gamma": jnp.ones((H2,), jnp.float32),
        "bn2_beta": jnp.zeros((H2,), jnp.float32),
        "wr": jax.random.normal(ks[3], (Q, Q), dtype=jnp.float32) * s,
        "wi": jax.random.normal(ks[4], (Q, Q), dtype=jnp.float32) * s,
        "wj": jax.random.normal(ks[5], (Q, Q), dtype=jnp.float32) * s,
        "wk": jax.random.normal(ks[6], (Q, Q), dtype=jnp.float32) * s,
        "quat_bias": jnp.zeros((H2,), jnp.float32),
        "cls_w": jax.random.normal(ks[7], (NUM_CLASSES, 2 * Q), dtype=jnp.float32) * s,
        "cls_b": jnp.zeros((NUM_CLASSES,), jnp.float32),
    }


def reference(inputs, edgeconv_w, bn1_gamma, bn1_beta, enc_w, bn2_gamma, bn2_beta,
              wr, wi, wj, wk, quat_bias, cls_w, cls_b):
    b = inputs.shape[0]
    # _sample_points_with_aux: pts_size == point_count -> no subsampling; take first 4 channels
    points = inputs[..., :4].reshape(b, -1, 4)            # [B, N, 4]
    x = jnp.transpose(points, (0, 2, 1))                  # [B, 4, N]
    # _knn_indices
    inner = -2.0 * jnp.einsum('bdn,bdm->bnm', x, x)
    xx = jnp.sum(x * x, axis=1)                           # [B, N]
    pairwise = -xx[:, :, None] - inner - xx[:, None, :]   # [B, N, N]
    idx = jax.lax.top_k(pairwise, K)[1]                   # [B, N, K]
    # _get_graph_feature (gather neighbors)
    feature = jax.vmap(lambda p, i: p[i])(points, idx)    # [B, N, K, 4]
    center = jnp.broadcast_to(points[:, :, None, :], feature.shape)
    gf = jnp.concatenate([feature - center, center], axis=3)  # [B, N, K, 8]
    gf = jnp.transpose(gf, (0, 3, 1, 2))                  # [B, 8, N, K]
    # edgeconv: 1x1 conv + BatchNorm2d (eval: running mean 0, var 1) + LeakyReLU(0.2)
    y = jnp.einsum('oc,bcnk->bonk', edgeconv_w, gf)
    y = bn1_gamma[None, :, None, None] * (y / jnp.sqrt(1.0 + EPS)) + bn1_beta[None, :, None, None]
    y = jnp.where(y > 0, y, 0.2 * y)
    edge_feat = jnp.max(y, axis=-1)                       # [B, H1, N]
    # encoder: 1x1 conv + BatchNorm1d (eval) + GELU
    e = jnp.einsum('oc,bcn->bon', enc_w, edge_feat)
    e = bn2_gamma[None, :, None] * (e / jnp.sqrt(1.0 + EPS)) + bn2_beta[None, :, None]
    e = jax.nn.gelu(e, approximate=False)                 # [B, H2, N]
    # QuaternionPointLinear(H2 -> H2)
    xq = jnp.transpose(e, (0, 2, 1)).reshape(b, -1, 4, Q)
    xr, xi, xj, xk_ = xq[:, :, 0], xq[:, :, 1], xq[:, :, 2], xq[:, :, 3]
    out_r = xr @ wr.T - xi @ wi.T - xj @ wj.T - xk_ @ wk.T
    out_i = xr @ wi.T + xi @ wr.T + xj @ wk.T - xk_ @ wj.T
    out_j = xr @ wj.T - xi @ wk.T + xj @ wr.T + xk_ @ wi.T
    out_k = xr @ wk.T + xi @ wj.T - xj @ wi.T + xk_ @ wr.T
    mixed = jnp.stack([out_r, out_i, out_j, out_k], axis=2).reshape(b, -1, H2) + quat_bias
    # quaternion_merge before pooling
    m = jnp.transpose(mixed, (0, 2, 1)).reshape(b, Q, 4, -1)
    merged = jnp.sum(m * m, axis=2)                       # [B, Q, N]
    pooled_max = jnp.max(merged, axis=-1)
    pooled_mean = jnp.mean(merged, axis=-1)
    feats = jnp.concatenate([pooled_max, pooled_mean], axis=1)  # [B, 2Q]
    # classifier (dropout is identity in eval)
    return feats @ cls_w.T + cls_b

if __name__ == "__main__":
    import jax
    _d = setup_inputs()
    print(jax.jit(kernel)(*tuple(_d.values())))

</pallas_src>

<mosaic_0001>
#map = affine_map<(d0, d1) -> (0)>
#map1 = affine_map<(d0, d1) -> (0, 0)>
module attributes {stable_mosaic.version = 14 : i64} {
  func.func @sc_gather(%arg0: i32, %arg1: i32, %arg2: memref<327680xi32, #tpu.memory_space<hbm>>, %arg3: memref<16384x64xbf16, #tpu.memory_space<hbm>>, %arg4: memref<327680x64xbf16, #tpu.memory_space<hbm>>, %arg5: memref<2048xi32, #tpu.memory_space<vmem>>, %arg6: memref<2048x64xbf16, #tpu.memory_space<vmem>>, %arg7: memref<!tpu.dma_semaphore, #tpu.memory_space<semaphore_mem>>) attributes {dimension_semantics = [#tpu.dimension_semantics<core_parallel>, #tpu.dimension_semantics<subcore_parallel>], iteration_bounds = array<i64: 2, 16>, scalar_prefetch = 0 : i64, scratch_operands = 3 : i64, tpu.core_type = #tpu.core_type<sc_vector_subcore>, window_params = [{transform_indices = #map}, {transform_indices = #map1}, {transform_indices = #map1}]} {
    %mul3A = arith.constant 2 : i32
    %mul3A_0 = arith.muli %arg1, %mul3A : i32
    %add3A = arith.addi %mul3A_0, %arg0 : i32
    %mul3A_1 = arith.constant 10240 : i32
    %mul3A_2 = arith.muli %add3A, %mul3A_1 : i32
    %add3A_3 = arith.constant 0 : i32
    %add3A_4 = arith.addi %mul3A_2, %add3A_3 : i32
    "tpu.region"() ({
      %run_scoped3A = tpu.sem_alloc : memref<!tpu.dma_semaphore, #tpu.memory_space<semaphore_mem>>
      %dma_start3A_41 = tpu.memref_slice %arg2[%add3A_4] : memref<327680xi32, #tpu.memory_space<hbm>> -> memref<2048xi32, #tpu.memory_space<hbm>>
      %dma_start3A_42 = tpu.memref_slice %arg2[%add3A_4] : memref<327680xi32, #tpu.memory_space<hbm>> -> memref<2048xi32, #tpu.memory_space<hbm>>
      tpu.enqueue_dma source(%dma_start3A_42 : memref<2048xi32, #tpu.memory_space<hbm>>) target(%arg5 : memref<2048xi32, #tpu.memory_space<vmem>>) target_semaphore(%run_scoped3A : memref<!tpu.dma_semaphore, #tpu.memory_space<semaphore_mem>>)
      %dma_wait3A_43 = tpu.memref_slice %arg2[%add3A_4] : memref<327680xi32, #tpu.memory_space<hbm>> -> memref<2048xi32, #tpu.memory_space<hbm>>
      %dma_wait3A_44 = tpu.memref_slice %arg2[%add3A_4] : memref<327680xi32, #tpu.memory_space<hbm>> -> memref<2048xi32, #tpu.memory_space<hbm>>
      tpu.wait_dma2 semaphore(%run_scoped3A : memref<!tpu.dma_semaphore, #tpu.memory_space<semaphore_mem>>) src(%dma_wait3A_44 : memref<2048xi32, #tpu.memory_space<hbm>>) dst(%arg5 : memref<2048xi32, #tpu.memory_space<vmem>>)
      tpu.yield
    }) : () -> ()
    %dma_start3A = arith.constant 0 : i32
    %dma_start3A_5 = arith.constant 0 : i32
    %dma_start3A_6 = tpu.memref_slice %arg3[%dma_start3A, %dma_start3A_5] : memref<16384x64xbf16, #tpu.memory_space<hbm>> -> memref<16384x64xbf16, #tpu.memory_space<hbm>>
    tpu.enqueue_indirect_dma source(%dma_start3A_6 : memref<16384x64xbf16, #tpu.memory_space<hbm>>) target(%arg6 : memref<2048x64xbf16, #tpu.memory_space<vmem>>) offsets(%arg5 : memref<2048xi32, #tpu.memory_space<vmem>>) semaphore(%arg7 : memref<!tpu.dma_semaphore, #tpu.memory_space<semaphore_mem>>)
    %dma_wait3A = arith.constant 0 : i32
    %dma_wait3A_7 = arith.constant 0 : i32
    %dma_wait3A_8 = tpu.memref_slice %arg3[%dma_wait3A, %dma_wait3A_7] : memref<16384x64xbf16, #tpu.memory_space<hbm>> -> memref<16384x64xbf16, #tpu.memory_space<hbm>>
    tpu.wait_indirect_dma semaphore(%arg7 : memref<!tpu.dma_semaphore, #tpu.memory_space<semaphore_mem>>) src(%dma_wait3A_8 : memref<16384x64xbf16, #tpu.memory_space<hbm>>) dst(%arg6 : memref<2048x64xbf16, #tpu.memory_space<vmem>>)
    "tpu.region"() ({
      %run_scoped3A = tpu.sem_alloc : memref<!tpu.dma_semaphore, #tpu.memory_space<semaphore_mem>>
      %dma_start3A_41 = arith.constant 0 : i32
      %dma_start3A_42 = tpu.memref_slice %arg4[%add3A_4, %dma_start3A_41] : memref<327680x64xbf16, #tpu.memory_space<hbm>> -> memref<2048x64xbf16, #tpu.memory_space<hbm>>
      %dma_start3A_43 = arith.constant 0 : i32
      %dma_start3A_44 = tpu.memref_slice %arg4[%add3A_4, %dma_start3A_43] : memref<327680x64xbf16, #tpu.memory_space<hbm>> -> memref<2048x64xbf16, #tpu.memory_space<hbm>>
      tpu.enqueue_dma source(%arg6 : memref<2048x64xbf16, #tpu.memory_space<vmem>>) target(%dma_start3A_44 : memref<2048x64xbf16, #tpu.memory_space<hbm>>) target_semaphore(%run_scoped3A : memref<!tpu.dma_semaphore, #tpu.memory_space<semaphore_mem>>)
      %dma_wait3A_45 = arith.constant 0 : i32
      %dma_wait3A_46 = tpu.memref_slice %arg4[%add3A_4, %dma_wait3A_45] : memref<327680x64xbf16, #tpu.memory_space<hbm>> -> memref<2048x64xbf16, #tpu.memory_space<hbm>>
      %dma_wait3A_47 = arith.constant 0 : i32
      %dma_wait3A_48 = tpu.memref_slice %arg4[%add3A_4, %dma_wait3A_47] : memref<327680x64xbf16, #tpu.memory_space<hbm>> -> memref<2048x64xbf16, #tpu.memory_space<hbm>>
      tpu.wait_dma2 semaphore(%run_scoped3A : memref<!tpu.dma_semaphore, #tpu.memory_space<semaphore_mem>>) src(%arg6 : memref<2048x64xbf16, #tpu.memory_space<vmem>>) dst(%dma_wait3A_48 : memref<2048x64xbf16, #tpu.memory_space<hbm>>)
      tpu.yield
    }) : () -> ()
    %add3A_9 = arith.constant 2048 : i32
    %add3A_10 = arith.addi %mul3A_2, %add3A_9 : i32
    "tpu.region"() ({
      %run_scoped3A = tpu.sem_alloc : memref<!tpu.dma_semaphore, #tpu.memory_space<semaphore_mem>>
      %dma_start3A_41 = tpu.memref_slice %arg2[%add3A_10] : memref<327680xi32, #tpu.memory_space<hbm>> -> memref<2048xi32, #tpu.memory_space<hbm>>
      %dma_start3A_42 = tpu.memref_slice %arg2[%add3A_10] : memref<327680xi32, #tpu.memory_space<hbm>> -> memref<2048xi32, #tpu.memory_space<hbm>>
      tpu.enqueue_dma source(%dma_start3A_42 : memref<2048xi32, #tpu.memory_space<hbm>>) target(%arg5 : memref<2048xi32, #tpu.memory_space<vmem>>) target_semaphore(%run_scoped3A : memref<!tpu.dma_semaphore, #tpu.memory_space<semaphore_mem>>)
      %dma_wait3A_43 = tpu.memref_slice %arg2[%add3A_10] : memref<327680xi32, #tpu.memory_space<hbm>> -> memref<2048xi32, #tpu.memory_space<hbm>>
      %dma_wait3A_44 = tpu.memref_slice %arg2[%add3A_10] : memref<327680xi32, #tpu.memory_space<hbm>> -> memref<2048xi32, #tpu.memory_space<hbm>>
      tpu.wait_dma2 semaphore(%run_scoped3A : memref<!tpu.dma_semaphore, #tpu.memory_space<semaphore_mem>>) src(%dma_wait3A_44 : memref<2048xi32, #tpu.memory_space<hbm>>) dst(%arg5 : memref<2048xi32, #tpu.memory_space<vmem>>)
      tpu.yield
    }) : () -> ()
    %dma_start3A_11 = arith.constant 0 : i32
    %dma_start3A_12 = arith.constant 0 : i32
    %dma_start3A_13 = tpu.memref_slice %arg3[%dma_start3A_11, %dma_start3A_12] : memref<16384x64xbf16, #tpu.memory_space<hbm>> -> memref<16384x64xbf16, #tpu.memory_space<hbm>>
    tpu.enqueue_indirect_dma source(%dma_start3A_13 : memref<16384x64xbf16, #tpu.memory_space<hbm>>) target(%arg6 : memref<2048x64xbf16, #tpu.memory_space<vmem>>) offsets(%arg5 : memref<2048xi32, #tpu.memory_space<vmem>>) semaphore(%arg7 : memref<!tpu.dma_semaphore, #tpu.memory_space<semaphore_mem>>)
    %dma_wait3A_14 = arith.constant 0 : i32
    %dma_wait3A_15 = arith.constant 0 : i32
    %dma_wait3A_16 = tpu.memref_slice %arg3[%dma_wait3A_14, %dma_wait3A_15] : memref<16384x64xbf16, #tpu.memory_space<hbm>> -> memref<16384x64xbf16, #tpu.memory_space<hbm>>
    tpu.wait_indirect_dma semaphore(%arg7 : memref<!tpu.dma_semaphore, #tpu.memory_space<semaphore_mem>>) src(%dma_wait3A_16 : memref<16384x64xbf16, #tpu.memory_space<hbm>>) dst(%arg6 : memref<2048x64xbf16, #tpu.memory_space<vmem>>)
    "tpu.region"() ({
      %run_scoped3A = tpu.sem_alloc : memref<!tpu.dma_semaphore, #tpu.memory_space<semaphore_mem>>
      %dma_start3A_41 = arith.constant 0 : i32
      %dma_start3A_42 = tpu.memref_slice %arg4[%add3A_10, %dma_start3A_41] : memref<327680x64xbf16, #tpu.memory_space<hbm>> -> memref<2048x64xbf16, #tpu.memory_space<hbm>>
      %dma_start3A_43 = arith.constant 0 : i32
      %dma_start3A_44 = tpu.memref_slice %arg4[%add3A_10, %dma_start3A_43] : memref<327680x64xbf16, #tpu.memory_space<hbm>> -> memref<2048x64xbf16, #tpu.memory_space<hbm>>
      tpu.enqueue_dma source(%arg6 : memref<2048x64xbf16, #tpu.memory_space<vmem>>) target(%dma_start3A_44 : memref<2048x64xbf16, #tpu.memory_space<hbm>>) target_semaphore(%run_scoped3A : memref<!tpu.dma_semaphore, #tpu.memory_space<semaphore_mem>>)
      %dma_wait3A_45 = arith.constant 0 : i32
      %dma_wait3A_46 = tpu.memref_slice %arg4[%add3A_10, %dma_wait3A_45] : memref<327680x64xbf16, #tpu.memory_space<hbm>> -> memref<2048x64xbf16, #tpu.memory_space<hbm>>
      %dma_wait3A_47 = arith.constant 0 : i32
      %dma_wait3A_48 = tpu.memref_slice %arg4[%add3A_10, %dma_wait3A_47] : memref<327680x64xbf16, #tpu.memory_space<hbm>> -> memref<2048x64xbf16, #tpu.memory_space<hbm>>
      tpu.wait_dma2 semaphore(%run_scoped3A : memref<!tpu.dma_semaphore, #tpu.memory_space<semaphore_mem>>) src(%arg6 : memref<2048x64xbf16, #tpu.memory_space<vmem>>) dst(%dma_wait3A_48 : memref<2048x64xbf16, #tpu.memory_space<hbm>>)
      tpu.yield
    }) : () -> ()
    %add3A_17 = arith.constant 4096 : i32
    %add3A_18 = arith.addi %mul3A_2, %add3A_17 : i32
    "tpu.region"() ({
      %run_scoped3A = tpu.sem_alloc : memref<!tpu.dma_semaphore, #tpu.memory_space<semaphore_mem>>
      %dma_start3A_41 = tpu.memref_slice %arg2[%add3A_18] : memref<327680xi32, #tpu.memory_space<hbm>> -> memref<2048xi32, #tpu.memory_space<hbm>>
      %dma_start3A_42 = tpu.memref_slice %arg2[%add3A_18] : memref<327680xi32, #tpu.memory_space<hbm>> -> memref<2048xi32, #tpu.memory_space<hbm>>
      tpu.enqueue_dma source(%dma_start3A_42 : memref<2048xi32, #tpu.memory_space<hbm>>) target(%arg5 : memref<2048xi32, #tpu.memory_space<vmem>>) target_semaphore(%run_scoped3A : memref<!tpu.dma_semaphore, #tpu.memory_space<semaphore_mem>>)
      %dma_wait3A_43 = tpu.memref_slice %arg2[%add3A_18] : memref<327680xi32, #tpu.memory_space<hbm>> -> memref<2048xi32, #tpu.memory_space<hbm>>
      %dma_wait3A_44 = tpu.memref_slice %arg2[%add3A_18] : memref<327680xi32, #tpu.memory_space<hbm>> -> memref<2048xi32, #tpu.memory_space<hbm>>
      tpu.wait_dma2 semaphore(%run_scoped3A : memref<!tpu.dma_semaphore, #tpu.memory_space<semaphore_mem>>) src(%dma_wait3A_44 : memref<2048xi32, #tpu.memory_space<hbm>>) dst(%arg5 : memref<2048xi32, #tpu.memory_space<vmem>>)
      tpu.yield
    }) : () -> ()
    %dma_start3A_19 = arith.constant 0 : i32
    %dma_start3A_20 = arith.constant 0 : i32
    %dma_start3A_21 = tpu.memref_slice %arg3[%dma_start3A_19, %dma_start3A_20] : memref<16384x64xbf16, #tpu.memory_space<hbm>> -> memref<16384x64xbf16, #tpu.memory_space<hbm>>
    tpu.enqueue_indirect_dma source(%dma_start3A_21 : memref<16384x64xbf16, #tpu.memory_space<hbm>>) target(%arg6 : memref<2048x64xbf16, #tpu.memory_space<vmem>>) offsets(%arg5 : memref<2048xi32, #tpu.memory_space<vmem>>) semaphore(%arg7 : memref<!tpu.dma_semaphore, #tpu.memory_space<semaphore_mem>>)
    %dma_wait3A_22 = arith.constant 0 : i32
    %dma_wait3A_23 = arith.constant 0 : i32
    %dma_wait3A_24 = tpu.memref_slice %arg3[%dma_wait3A_22, %dma_wait3A_23] : memref<16384x64xbf16, #tpu.memory_space<hbm>> -> memref<16384x64xbf16, #tpu.memory_space<hbm>>
    tpu.wait_indirect_dma semaphore(%arg7 : memref<!tpu.dma_semaphore, #tpu.memory_space<semaphore_mem>>) src(%dma_wait3A_24 : memref<16384x64xbf16, #tpu.memory_space<hbm>>) dst(%arg6 : memref<2048x64xbf16, #tpu.memory_space<vmem>>)
    "tpu.region"() ({
      %run_scoped3A = tpu.sem_alloc : memref<!tpu.dma_semaphore, #tpu.memory_space<semaphore_mem>>
      %dma_start3A_41 = arith.constant 0 : i32
      %dma_start3A_42 = tpu.memref_slice %arg4[%add3A_18, %dma_start3A_41] : memref<327680x64xbf16, #tpu.memory_space<hbm>> -> memref<2048x64xbf16, #tpu.memory_space<hbm>>
      %dma_start3A_43 = arith.constant 0 : i32
      %dma_start3A_44 = tpu.memref_slice %arg4[%add3A_18, %dma_start3A_43] : memref<327680x64xbf16, #tpu.memory_space<hbm>> -> memref<2048x64xbf16, #tpu.memory_space<hbm>>
      tpu.enqueue_dma source(%arg6 : memref<2048x64xbf16, #tpu.memory_space<vmem>>) target(%dma_start3A_44 : memref<2048x64xbf16, #tpu.memory_space<hbm>>) target_semaphore(%run_scoped3A : memref<!tpu.dma_semaphore, #tpu.memory_space<semaphore_mem>>)
      %dma_wait3A_45 = arith.constant 0 : i32
      %dma_wait3A_46 = tpu.memref_slice %arg4[%add3A_18, %dma_wait3A_45] : memref<327680x64xbf16, #tpu.memory_space<hbm>> -> memref<2048x64xbf16, #tpu.memory_space<hbm>>
      %dma_wait3A_47 = arith.constant 0 : i32
      %dma_wait3A_48 = tpu.memref_slice %arg4[%add3A_18, %dma_wait3A_47] : memref<327680x64xbf16, #tpu.memory_space<hbm>> -> memref<2048x64xbf16, #tpu.memory_space<hbm>>
      tpu.wait_dma2 semaphore(%run_scoped3A : memref<!tpu.dma_semaphore, #tpu.memory_space<semaphore_mem>>) src(%arg6 : memref<2048x64xbf16, #tpu.memory_space<vmem>>) dst(%dma_wait3A_48 : memref<2048x64xbf16, #tpu.memory_space<hbm>>)
      tpu.yield
    }) : () -> ()
    %add3A_25 = arith.constant 6144 : i32
    %add3A_26 = arith.addi %mul3A_2, %add3A_25 : i32
    "tpu.region"() ({
      %run_scoped3A = tpu.sem_alloc : memref<!tpu.dma_semaphore, #tpu.memory_space<semaphore_mem>>
      %dma_start3A_41 = tpu.memref_slice %arg2[%add3A_26] : memref<327680xi32, #tpu.memory_space<hbm>> -> memref<2048xi32, #tpu.memory_space<hbm>>
      %dma_start3A_42 = tpu.memref_slice %arg2[%add3A_26] : memref<327680xi32, #tpu.memory_space<hbm>> -> memref<2048xi32, #tpu.memory_space<hbm>>
      tpu.enqueue_dma source(%dma_start3A_42 : memref<2048xi32, #tpu.memory_space<hbm>>) target(%arg5 : memref<2048xi32, #tpu.memory_space<vmem>>) target_semaphore(%run_scoped3A : memref<!tpu.dma_semaphore, #tpu.memory_space<semaphore_mem>>)
      %dma_wait3A_43 = tpu.memref_slice %arg2[%add3A_26] : memref<327680xi32, #tpu.memory_space<hbm>> -> memref<2048xi32, #tpu.memory_space<hbm>>
      %dma_wait3A_44 = tpu.memref_slice %arg2[%add3A_26] : memref<327680xi32, #tpu.memory_space<hbm>> -> memref<2048xi32, #tpu.memory_space<hbm>>
      tpu.wait_dma2 semaphore(%run_scoped3A : memref<!tpu.dma_semaphore, #tpu.memory_space<semaphore_mem>>) src(%dma_wait3A_44 : memref<2048xi32, #tpu.memory_space<hbm>>) dst(%arg5 : memref<2048xi32, #tpu.memory_space<vmem>>)
      tpu.yield
    }) : () -> ()
    %dma_start3A_27 = arith.constant 0 : i32
    %dma_start3A_28 = arith.constant 0 : i32
    %dma_start3A_29 = tpu.memref_slice %arg3[%dma_start3A_27, %dma_start3A_28] : memref<16384x64xbf16, #tpu.memory_space<hbm>> -> memref<16384x64xbf16, #tpu.memory_space<hbm>>
    tpu.enqueue_indirect_dma source(%dma_start3A_29 : memref<16384x64xbf16, #tpu.memory_space<hbm>>) target(%arg6 : memref<2048x64xbf16, #tpu.memory_space<vmem>>) offsets(%arg5 : memref<2048xi32, #tpu.memory_space<vmem>>) semaphore(%arg7 : memref<!tpu.dma_semaphore, #tpu.memory_space<semaphore_mem>>)
    %dma_wait3A_30 = arith.constant 0 : i32
    %dma_wait3A_31 = arith.constant 0 : i32
    %dma_wait3A_32 = tpu.memref_slice %arg3[%dma_wait3A_30, %dma_wait3A_31] : memref<16384x64xbf16, #tpu.memory_space<hbm>> -> memref<16384x64xbf16, #tpu.memory_space<hbm>>
    tpu.wait_indirect_dma semaphore(%arg7 : memref<!tpu.dma_semaphore, #tpu.memory_space<semaphore_mem>>) src(%dma_wait3A_32 : memref<16384x64xbf16, #tpu.memory_space<hbm>>) dst(%arg6 : memref<2048x64xbf16, #tpu.memory_space<vmem>>)
    "tpu.region"() ({
      %run_scoped3A = tpu.sem_alloc : memref<!tpu.dma_semaphore, #tpu.memory_space<semaphore_mem>>
      %dma_start3A_41 = arith.constant 0 : i32
      %dma_start3A_42 = tpu.memref_slice %arg4[%add3A_26, %dma_start3A_41] : memref<327680x64xbf16, #tpu.memory_space<hbm>> -> memref<2048x64xbf16, #tpu.memory_space<hbm>>
      %dma_start3A_43 = arith.constant 0 : i32
      %dma_start3A_44 = tpu.memref_slice %arg4[%add3A_26, %dma_start3A_43] : memref<327680x64xbf16, #tpu.memory_space<hbm>> -> memref<2048x64xbf16, #tpu.memory_space<hbm>>
      tpu.enqueue_dma source(%arg6 : memref<2048x64xbf16, #tpu.memory_space<vmem>>) target(%dma_start3A_44 : memref<2048x64xbf16, #tpu.memory_space<hbm>>) target_semaphore(%run_scoped3A : memref<!tpu.dma_semaphore, #tpu.memory_space<semaphore_mem>>)
      %dma_wait3A_45 = arith.constant 0 : i32
      %dma_wait3A_46 = tpu.memref_slice %arg4[%add3A_26, %dma_wait3A_45] : memref<327680x64xbf16, #tpu.memory_space<hbm>> -> memref<2048x64xbf16, #tpu.memory_space<hbm>>
      %dma_wait3A_47 = arith.constant 0 : i32
      %dma_wait3A_48 = tpu.memref_slice %arg4[%add3A_26, %dma_wait3A_47] : memref<327680x64xbf16, #tpu.memory_space<hbm>> -> memref<2048x64xbf16, #tpu.memory_space<hbm>>
      tpu.wait_dma2 semaphore(%run_scoped3A : memref<!tpu.dma_semaphore, #tpu.memory_space<semaphore_mem>>) src(%arg6 : memref<2048x64xbf16, #tpu.memory_space<vmem>>) dst(%dma_wait3A_48 : memref<2048x64xbf16, #tpu.memory_space<hbm>>)
      tpu.yield
    }) : () -> ()
    %add3A_33 = arith.constant 8192 : i32
    %add3A_34 = arith.addi %mul3A_2, %add3A_33 : i32
    "tpu.region"() ({
      %run_scoped3A = tpu.sem_alloc : memref<!tpu.dma_semaphore, #tpu.memory_space<semaphore_mem>>
      %dma_start3A_41 = tpu.memref_slice %arg2[%add3A_34] : memref<327680xi32, #tpu.memory_space<hbm>> -> memref<2048xi32, #tpu.memory_space<hbm>>
      %dma_start3A_42 = tpu.memref_slice %arg2[%add3A_34] : memref<327680xi32, #tpu.memory_space<hbm>> -> memref<2048xi32, #tpu.memory_space<hbm>>
      tpu.enqueue_dma source(%dma_start3A_42 : memref<2048xi32, #tpu.memory_space<hbm>>) target(%arg5 : memref<2048xi32, #tpu.memory_space<vmem>>) target_semaphore(%run_scoped3A : memref<!tpu.dma_semaphore, #tpu.memory_space<semaphore_mem>>)
      %dma_wait3A_43 = tpu.memref_slice %arg2[%add3A_34] : memref<327680xi32, #tpu.memory_space<hbm>> -> memref<2048xi32, #tpu.memory_space<hbm>>
      %dma_wait3A_44 = tpu.memref_slice %arg2[%add3A_34] : memref<327680xi32, #tpu.memory_space<hbm>> -> memref<2048xi32, #tpu.memory_space<hbm>>
      tpu.wait_dma2 semaphore(%run_scoped3A : memref<!tpu.dma_semaphore, #tpu.memory_space<semaphore_mem>>) src(%dma_wait3A_44 : memref<2048xi32, #tpu.memory_space<hbm>>) dst(%arg5 : memref<2048xi32, #tpu.memory_space<vmem>>)
      tpu.yield
    }) : () -> ()
    %dma_start3A_35 = arith.constant 0 : i32
    %dma_start3A_36 = arith.constant 0 : i32
    %dma_start3A_37 = tpu.memref_slice %arg3[%dma_start3A_35, %dma_start3A_36] : memref<16384x64xbf16, #tpu.memory_space<hbm>> -> memref<16384x64xbf16, #tpu.memory_space<hbm>>
    tpu.enqueue_indirect_dma source(%dma_start3A_37 : memref<16384x64xbf16, #tpu.memory_space<hbm>>) target(%arg6 : memref<2048x64xbf16, #tpu.memory_space<vmem>>) offsets(%arg5 : memref<2048xi32, #tpu.memory_space<vmem>>) semaphore(%arg7 : memref<!tpu.dma_semaphore, #tpu.memory_space<semaphore_mem>>)
    %dma_wait3A_38 = arith.constant 0 : i32
    %dma_wait3A_39 = arith.constant 0 : i32
    %dma_wait3A_40 = tpu.memref_slice %arg3[%dma_wait3A_38, %dma_wait3A_39] : memref<16384x64xbf16, #tpu.memory_space<hbm>> -> memref<16384x64xbf16, #tpu.memory_space<hbm>>
    tpu.wait_indirect_dma semaphore(%arg7 : memref<!tpu.dma_semaphore, #tpu.memory_space<semaphore_mem>>) src(%dma_wait3A_40 : memref<16384x64xbf16, #tpu.memory_space<hbm>>) dst(%arg6 : memref<2048x64xbf16, #tpu.memory_space<vmem>>)
    "tpu.region"() ({
      %run_scoped3A = tpu.sem_alloc : memref<!tpu.dma_semaphore, #tpu.memory_space<semaphore_mem>>
      %dma_start3A_41 = arith.constant 0 : i32
      %dma_start3A_42 = tpu.memref_slice %arg4[%add3A_34, %dma_start3A_41] : memref<327680x64xbf16, #tpu.memory_space<hbm>> -> memref<2048x64xbf16, #tpu.memory_space<hbm>>
      %dma_start3A_43 = arith.constant 0 : i32
      %dma_start3A_44 = tpu.memref_slice %arg4[%add3A_34, %dma_start3A_43] : memref<327680x64xbf16, #tpu.memory_space<hbm>> -> memref<2048x64xbf16, #tpu.memory_space<hbm>>
      tpu.enqueue_dma source(%arg6 : memref<2048x64xbf16, #tpu.memory_space<vmem>>) target(%dma_start3A_44 : memref<2048x64xbf16, #tpu.memory_space<hbm>>) target_semaphore(%run_scoped3A : memref<!tpu.dma_semaphore, #tpu.memory_space<semaphore_mem>>)
      %dma_wait3A_45 = arith.constant 0 : i32
      %dma_wait3A_46 = tpu.memref_slice %arg4[%add3A_34, %dma_wait3A_45] : memref<327680x64xbf16, #tpu.memory_space<hbm>> -> memref<2048x64xbf16, #tpu.memory_space<hbm>>
      %dma_wait3A_47 = arith.constant 0 : i32
      %dma_wait3A_48 = tpu.memref_slice %arg4[%add3A_34, %dma_wait3A_47] : memref<327680x64xbf16, #tpu.memory_space<hbm>> -> memref<2048x64xbf16, #tpu.memory_space<hbm>>
      tpu.wait_dma2 semaphore(%run_scoped3A : memref<!tpu.dma_semaphore, #tpu.memory_space<semaphore_mem>>) src(%arg6 : memref<2048x64xbf16, #tpu.memory_space<vmem>>) dst(%dma_wait3A_48 : memref<2048x64xbf16, #tpu.memory_space<hbm>>)
      tpu.yield
    }) : () -> ()
    return
  }
}

#map = affine_map<(d0, d1) -> (0)>
#map1 = affine_map<(d0, d1) -> (0, 0)>
module attributes {stable_mosaic.version = 14 : i64} {
  func.func @sc_gather(%arg0: i32, %arg1: i32, %arg2: memref<327680xi32, #tpu.memory_space<hbm>>, %arg3: memref<16384x64xbf16, #tpu.memory_space<hbm>>, %arg4: memref<327680x64xbf16, #tpu.memory_space<hbm>>, %arg5: memref<2048xi32, #tpu.memory_space<vmem>>, %arg6: memref<2048x64xbf16, #tpu.memory_space<vmem>>, %arg7: memref<!tpu.dma_semaphore, #tpu.memory_space<semaphore_mem>>) attributes {dimension_semantics = [#tpu.dimension_semantics<core_parallel>, #tpu.dimension_semantics<subcore_parallel>], iteration_bounds = array<i64: 2, 16>, scalar_prefetch = 0 : i64, scratch_operands = 3 : i64, tpu.core_type = #tpu.core_type<sc_vector_subcore>, window_params = [{transform_indices = #map}, {transform_indices = #map1}, {transform_indices = #map1}]} {
    %mul3A = arith.constant 2 : i32
    %mul3A_0 = arith.muli %arg1, %mul3A : i32
    %add3A = arith.addi %mul3A_0, %arg0 : i32
    %mul3A_1 = arith.constant 10240 : i32
    %mul3A_2 = arith.muli %add3A, %mul3A_1 : i32
    %add3A_3 = arith.constant 0 : i32
    %add3A_4 = arith.addi %mul3A_2, %add3A_3 : i32
    "tpu.region"() ({
      %run_scoped3A = tpu.sem_alloc : memref<!tpu.dma_semaphore, #tpu.memory_space<semaphore_mem>>
      %dma_start3A_41 = tpu.memref_slice %arg2[%add3A_4] : memref<327680xi32, #tpu.memory_space<hbm>> -> memref<2048xi32, #tpu.memory_space<hbm>>
      %dma_start3A_42 = tpu.memref_slice %arg2[%add3A_4] : memref<327680xi32, #tpu.memory_space<hbm>> -> memref<2048xi32, #tpu.memory_space<hbm>>
      tpu.enqueue_dma source(%dma_start3A_42 : memref<2048xi32, #tpu.memory_space<hbm>>) target(%arg5 : memref<2048xi32, #tpu.memory_space<vmem>>) target_semaphore(%run_scoped3A : memref<!tpu.dma_semaphore, #tpu.memory_space<semaphore_mem>>)
      %dma_wait3A_43 = tpu.memref_slice %arg2[%add3A_4] : memref<327680xi32, #tpu.memory_space<hbm>> -> memref<2048xi32, #tpu.memory_space<hbm>>
      %dma_wait3A_44 = tpu.memref_slice %arg2[%add3A_4] : memref<327680xi32, #tpu.memory_space<hbm>> -> memref<2048xi32, #tpu.memory_space<hbm>>
      tpu.wait_dma2 semaphore(%run_scoped3A : memref<!tpu.dma_semaphore, #tpu.memory_space<semaphore_mem>>) src(%dma_wait3A_44 : memref<2048xi32, #tpu.memory_space<hbm>>) dst(%arg5 : memref<2048xi32, #tpu.memory_space<vmem>>)
      tpu.yield
    }) : () -> ()
    %dma_start3A = arith.constant 0 : i32
    %dma_start3A_5 = arith.constant 0 : i32
    %dma_start3A_6 = tpu.memref_slice %arg3[%dma_start3A, %dma_start3A_5] : memref<16384x64xbf16, #tpu.memory_space<hbm>> -> memref<16384x64xbf16, #tpu.memory_space<hbm>>
    tpu.enqueue_indirect_dma source(%dma_start3A_6 : memref<16384x64xbf16, #tpu.memory_space<hbm>>) target(%arg6 : memref<2048x64xbf16, #tpu.memory_space<vmem>>) offsets(%arg5 : memref<2048xi32, #tpu.memory_space<vmem>>) semaphore(%arg7 : memref<!tpu.dma_semaphore, #tpu.memory_space<semaphore_mem>>)
    %dma_wait3A = arith.constant 0 : i32
    %dma_wait3A_7 = arith.constant 0 : i32
    %dma_wait3A_8 = tpu.memref_slice %arg3[%dma_wait3A, %dma_wait3A_7] : memref<16384x64xbf16, #tpu.memory_space<hbm>> -> memref<16384x64xbf16, #tpu.memory_space<hbm>>
    tpu.wait_indirect_dma semaphore(%arg7 : memref<!tpu.dma_semaphore, #tpu.memory_space<semaphore_mem>>) src(%dma_wait3A_8 : memref<16384x64xbf16, #tpu.memory_space<hbm>>) dst(%arg6 : memref<2048x64xbf16, #tpu.memory_space<vmem>>)
    "tpu.region"() ({
      %run_scoped3A = tpu.sem_alloc : memref<!tpu.dma_semaphore, #tpu.memory_space<semaphore_mem>>
      %dma_start3A_41 = arith.constant 0 : i32
      %dma_start3A_42 = tpu.memref_slice %arg4[%add3A_4, %dma_start3A_41] : memref<327680x64xbf16, #tpu.memory_space<hbm>> -> memref<2048x64xbf16, #tpu.memory_space<hbm>>
      %dma_start3A_43 = arith.constant 0 : i32
      %dma_start3A_44 = tpu.memref_slice %arg4[%add3A_4, %dma_start3A_43] : memref<327680x64xbf16, #tpu.memory_space<hbm>> -> memref<2048x64xbf16, #tpu.memory_space<hbm>>
      tpu.enqueue_dma source(%arg6 : memref<2048x64xbf16, #tpu.memory_space<vmem>>) target(%dma_start3A_44 : memref<2048x64xbf16, #tpu.memory_space<hbm>>) target_semaphore(%run_scoped3A : memref<!tpu.dma_semaphore, #tpu.memory_space<semaphore_mem>>)
      %dma_wait3A_45 = arith.constant 0 : i32
      %dma_wait3A_46 = tpu.memref_slice %arg4[%add3A_4, %dma_wait3A_45] : memref<327680x64xbf16, #tpu.memory_space<hbm>> -> memref<2048x64xbf16, #tpu.memory_space<hbm>>
      %dma_wait3A_47 = arith.constant 0 : i32
      %dma_wait3A_48 = tpu.memref_slice %arg4[%add3A_4, %dma_wait3A_47] : memref<327680x64xbf16, #tpu.memory_space<hbm>> -> memref<2048x64xbf16, #tpu.memory_space<hbm>>
      tpu.wait_dma2 semaphore(%run_scoped3A : memref<!tpu.dma_semaphore, #tpu.memory_space<semaphore_mem>>) src(%arg6 : memref<2048x64xbf16, #tpu.memory_space<vmem>>) dst(%dma_wait3A_48 : memref<2048x64xbf16, #tpu.memory_space<hbm>>)
      tpu.yield
    }) : () -> ()
    %add3A_9 = arith.constant 2048 : i32
    %add3A_10 = arith.addi %mul3A_2, %add3A_9 : i32
    "tpu.region"() ({
      %run_scoped3A = tpu.sem_alloc : memref<!tpu.dma_semaphore, #tpu.memory_space<semaphore_mem>>
      %dma_start3A_41 = tpu.memref_slice %arg2[%add3A_10] : memref<327680xi32, #tpu.memory_space<hbm>> -> memref<2048xi32, #tpu.memory_space<hbm>>
      %dma_start3A_42 = tpu.memref_slice %arg2[%add3A_10] : memref<327680xi32, #tpu.memory_space<hbm>> -> memref<2048xi32, #tpu.memory_space<hbm>>
      tpu.enqueue_dma source(%dma_start3A_42 : memref<2048xi32, #tpu.memory_space<hbm>>) target(%arg5 : memref<2048xi32, #tpu.memory_space<vmem>>) target_semaphore(%run_scoped3A : memref<!tpu.dma_semaphore, #tpu.memory_space<semaphore_mem>>)
      %dma_wait3A_43 = tpu.memref_slice %arg2[%add3A_10] : memref<327680xi32, #tpu.memory_space<hbm>> -> memref<2048xi32, #tpu.memory_space<hbm>>
      %dma_wait3A_44 = tpu.memref_slice %arg2[%add3A_10] : memref<327680xi32, #tpu.memory_space<hbm>> -> memref<2048xi32, #tpu.memory_space<hbm>>
      tpu.wait_dma2 semaphore(%run_scoped3A : memref<!tpu.dma_semaphore, #tpu.memory_space<semaphore_mem>>) src(%dma_wait3A_44 : memref<2048xi32, #tpu.memory_space<hbm>>) dst(%arg5 : memref<2048xi32, #tpu.memory_space<vmem>>)
      tpu.yield
    }) : () -> ()
    %dma_start3A_11 = arith.constant 0 : i32
    %dma_start3A_12 = arith.constant 0 : i32
    %dma_start3A_13 = tpu.memref_slice %arg3[%dma_start3A_11, %dma_start3A_12] : memref<16384x64xbf16, #tpu.memory_space<hbm>> -> memref<16384x64xbf16, #tpu.memory_space<hbm>>
    tpu.enqueue_indirect_dma source(%dma_start3A_13 : memref<16384x64xbf16, #tpu.memory_space<hbm>>) target(%arg6 : memref<2048x64xbf16, #tpu.memory_space<vmem>>) offsets(%arg5 : memref<2048xi32, #tpu.memory_space<vmem>>) semaphore(%arg7 : memref<!tpu.dma_semaphore, #tpu.memory_space<semaphore_mem>>)
    %dma_wait3A_14 = arith.constant 0 : i32
    %dma_wait3A_15 = arith.constant 0 : i32
    %dma_wait3A_16 = tpu.memref_slice %arg3[%dma_wait3A_14, %dma_wait3A_15] : memref<16384x64xbf16, #tpu.memory_space<hbm>> -> memref<16384x64xbf16, #tpu.memory_space<hbm>>
    tpu.wait_indirect_dma semaphore(%arg7 : memref<!tpu.dma_semaphore, #tpu.memory_space<semaphore_mem>>) src(%dma_wait3A_16 : memref<16384x64xbf16, #tpu.memory_space<hbm>>) dst(%arg6 : memref<2048x64xbf16, #tpu.memory_space<vmem>>)
    "tpu.region"() ({
      %run_scoped3A = tpu.sem_alloc : memref<!tpu.dma_semaphore, #tpu.memory_space<semaphore_mem>>
      %dma_start3A_41 = arith.constant 0 : i32
      %dma_start3A_42 = tpu.memref_slice %arg4[%add3A_10, %dma_start3A_41] : memref<327680x64xbf16, #tpu.memory_space<hbm>> -> memref<2048x64xbf16, #tpu.memory_space<hbm>>
      %dma_start3A_43 = arith.constant 0 : i32
      %dma_start3A_44 = tpu.memref_slice %arg4[%add3A_10, %dma_start3A_43] : memref<327680x64xbf16, #tpu.memory_space<hbm>> -> memref<2048x64xbf16, #tpu.memory_space<hbm>>
      tpu.enqueue_dma source(%arg6 : memref<2048x64xbf16, #tpu.memory_space<vmem>>) target(%dma_start3A_44 : memref<2048x64xbf16, #tpu.memory_space<hbm>>) target_semaphore(%run_scoped3A : memref<!tpu.dma_semaphore, #tpu.memory_space<semaphore_mem>>)
      %dma_wait3A_45 = arith.constant 0 : i32
      %dma_wait3A_46 = tpu.memref_slice %arg4[%add3A_10, %dma_wait3A_45] : memref<327680x64xbf16, #tpu.memory_space<hbm>> -> memref<2048x64xbf16, #tpu.memory_space<hbm>>
      %dma_wait3A_47 = arith.constant 0 : i32
      %dma_wait3A_48 = tpu.memref_slice %arg4[%add3A_10, %dma_wait3A_47] : memref<327680x64xbf16, #tpu.memory_space<hbm>> -> memref<2048x64xbf16, #tpu.memory_space<hbm>>
      tpu.wait_dma2 semaphore(%run_scoped3A : memref<!tpu.dma_semaphore, #tpu.memory_space<semaphore_mem>>) src(%arg6 : memref<2048x64xbf16, #tpu.memory_space<vmem>>) dst(%dma_wait3A_48 : memref<2048x64xbf16, #tpu.memory_space<hbm>>)
      tpu.yield
    }) : () -> ()
    %add3A_17 = arith.constant 4096 : i32
    %add3A_18 = arith.addi %mul3A_2, %add3A_17 : i32
    "tpu.region"() ({
      %run_scoped3A = tpu.sem_alloc : memref<!tpu.dma_semaphore, #tpu.memory_space<semaphore_mem>>
      %dma_start3A_41 = tpu.memref_slice %arg2[%add3A_18] : memref<327680xi32, #tpu.memory_space<hbm>> -> memref<2048xi32, #tpu.memory_space<hbm>>
      %dma_start3A_42 = tpu.memref_slice %arg2[%add3A_18] : memref<327680xi32, #tpu.memory_space<hbm>> -> memref<2048xi32, #tpu.memory_space<hbm>>
      tpu.enqueue_dma source(%dma_start3A_42 : memref<2048xi32, #tpu.memory_space<hbm>>) target(%arg5 : memref<2048xi32, #tpu.memory_space<vmem>>) target_semaphore(%run_scoped3A : memref<!tpu.dma_semaphore, #tpu.memory_space<semaphore_mem>>)
      %dma_wait3A_43 = tpu.memref_slice %arg2[%add3A_18] : memref<327680xi32, #tpu.memory_space<hbm>> -> memref<2048xi32, #tpu.memory_space<hbm>>
      %dma_wait3A_44 = tpu.memref_slice %arg2[%add3A_18] : memref<327680xi32, #tpu.memory_space<hbm>> -> memref<2048xi32, #tpu.memory_space<hbm>>
      tpu.wait_dma2 semaphore(%run_scoped3A : memref<!tpu.dma_semaphore, #tpu.memory_space<semaphore_mem>>) src(%dma_wait3A_44 : memref<2048xi32, #tpu.memory_space<hbm>>) dst(%arg5 : memref<2048xi32, #tpu.memory_space<vmem>>)
      tpu.yield
    }) : () -> ()
    %dma_start3A_19 = arith.constant 0 : i32
    %dma_start3A_20 = arith.constant 0 : i32
    %dma_start3A_21 = tpu.memref_slice %arg3[%dma_start3A_19, %dma_start3A_20] : memref<16384x64xbf16, #tpu.memory_space<hbm>> -> memref<16384x64xbf16, #tpu.memory_space<hbm>>
    tpu.enqueue_indirect_dma source(%dma_start3A_21 : memref<16384x64xbf16, #tpu.memory_space<hbm>>) target(%arg6 : memref<2048x64xbf16, #tpu.memory_space<vmem>>) offsets(%arg5 : memref<2048xi32, #tpu.memory_space<vmem>>) semaphore(%arg7 : memref<!tpu.dma_semaphore, #tpu.memory_space<semaphore_mem>>)
    %dma_wait3A_22 = arith.constant 0 : i32
    %dma_wait3A_23 = arith.constant 0 : i32
    %dma_wait3A_24 = tpu.memref_slice %arg3[%dma_wait3A_22, %dma_wait3A_23] : memref<16384x64xbf16, #tpu.memory_space<hbm>> -> memref<16384x64xbf16, #tpu.memory_space<hbm>>
    tpu.wait_indirect_dma semaphore(%arg7 : memref<!tpu.dma_semaphore, #tpu.memory_space<semaphore_mem>>) src(%dma_wait3A_24 : memref<16384x64xbf16, #tpu.memory_space<hbm>>) dst(%arg6 : memref<2048x64xbf16, #tpu.memory_space<vmem>>)
    "tpu.region"() ({
      %run_scoped3A = tpu.sem_alloc : memref<!tpu.dma_semaphore, #tpu.memory_space<semaphore_mem>>
      %dma_start3A_41 = arith.constant 0 : i32
      %dma_start3A_42 = tpu.memref_slice %arg4[%add3A_18, %dma_start3A_41] : memref<327680x64xbf16, #tpu.memory_space<hbm>> -> memref<2048x64xbf16, #tpu.memory_space<hbm>>
      %dma_start3A_43 = arith.constant 0 : i32
      %dma_start3A_44 = tpu.memref_slice %arg4[%add3A_18, %dma_start3A_43] : memref<327680x64xbf16, #tpu.memory_space<hbm>> -> memref<2048x64xbf16, #tpu.memory_space<hbm>>
      tpu.enqueue_dma source(%arg6 : memref<2048x64xbf16, #tpu.memory_space<vmem>>) target(%dma_start3A_44 : memref<2048x64xbf16, #tpu.memory_space<hbm>>) target_semaphore(%run_scoped3A : memref<!tpu.dma_semaphore, #tpu.memory_space<semaphore_mem>>)
      %dma_wait3A_45 = arith.constant 0 : i32
      %dma_wait3A_46 = tpu.memref_slice %arg4[%add3A_18, %dma_wait3A_45] : memref<327680x64xbf16, #tpu.memory_space<hbm>> -> memref<2048x64xbf16, #tpu.memory_space<hbm>>
      %dma_wait3A_47 = arith.constant 0 : i32
      %dma_wait3A_48 = tpu.memref_slice %arg4[%add3A_18, %dma_wait3A_47] : memref<327680x64xbf16, #tpu.memory_space<hbm>> -> memref<2048x64xbf16, #tpu.memory_space<hbm>>
      tpu.wait_dma2 semaphore(%run_scoped3A : memref<!tpu.dma_semaphore, #tpu.memory_space<semaphore_mem>>) src(%arg6 : memref<2048x64xbf16, #tpu.memory_space<vmem>>) dst(%dma_wait3A_48 : memref<2048x64xbf16, #tpu.memory_space<hbm>>)
      tpu.yield
    }) : () -> ()
    %add3A_25 = arith.constant 6144 : i32
    %add3A_26 = arith.addi %mul3A_2, %add3A_25 : i32
    "tpu.region"() ({
      %run_scoped3A = tpu.sem_alloc : memref<!tpu.dma_semaphore, #tpu.memory_space<semaphore_mem>>
      %dma_start3A_41 = tpu.memref_slice %arg2[%add3A_26] : memref<327680xi32, #tpu.memory_space<hbm>> -> memref<2048xi32, #tpu.memory_space<hbm>>
      %dma_start3A_42 = tpu.memref_slice %arg2[%add3A_26] : memref<327680xi32, #tpu.memory_space<hbm>> -> memref<2048xi32, #tpu.memory_space<hbm>>
      tpu.enqueue_dma source(%dma_start3A_42 : memref<2048xi32, #tpu.memory_space<hbm>>) target(%arg5 : memref<2048xi32, #tpu.memory_space<vmem>>) target_semaphore(%run_scoped3A : memref<!tpu.dma_semaphore, #tpu.memory_space<semaphore_mem>>)
      %dma_wait3A_43 = tpu.memref_slice %arg2[%add3A_26] : memref<327680xi32, #tpu.memory_space<hbm>> -> memref<2048xi32, #tpu.memory_space<hbm>>
      %dma_wait3A_44 = tpu.memref_slice %arg2[%add3A_26] : memref<327680xi32, #tpu.memory_space<hbm>> -> memref<2048xi32, #tpu.memory_space<hbm>>
      tpu.wait_dma2 semaphore(%run_scoped3A : memref<!tpu.dma_semaphore, #tpu.memory_space<semaphore_mem>>) src(%dma_wait3A_44 : memref<2048xi32, #tpu.memory_space<hbm>>) dst(%arg5 : memref<2048xi32, #tpu.memory_space<vmem>>)
      tpu.yield
    }) : () -> ()
    %dma_start3A_27 = arith.constant 0 : i32
    %dma_start3A_28 = arith.constant 0 : i32
    %dma_start3A_29 = tpu.memref_slice %arg3[%dma_start3A_27, %dma_start3A_28] : memref<16384x64xbf16, #tpu.memory_space<hbm>> -> memref<16384x64xbf16, #tpu.memory_space<hbm>>
    tpu.enqueue_indirect_dma source(%dma_start3A_29 : memref<16384x64xbf16, #tpu.memory_space<hbm>>) target(%arg6 : memref<2048x64xbf16, #tpu.memory_space<vmem>>) offsets(%arg5 : memref<2048xi32, #tpu.memory_space<vmem>>) semaphore(%arg7 : memref<!tpu.dma_semaphore, #tpu.memory_space<semaphore_mem>>)
    %dma_wait3A_30 = arith.constant 0 : i32
    %dma_wait3A_31 = arith.constant 0 : i32
    %dma_wait3A_32 = tpu.memref_slice %arg3[%dma_wait3A_30, %dma_wait3A_31] : memref<16384x64xbf16, #tpu.memory_space<hbm>> -> memref<16384x64xbf16, #tpu.memory_space<hbm>>
    tpu.wait_indirect_dma semaphore(%arg7 : memref<!tpu.dma_semaphore, #tpu.memory_space<semaphore_mem>>) src(%dma_wait3A_32 : memref<16384x64xbf16, #tpu.memory_space<hbm>>) dst(%arg6 : memref<2048x64xbf16, #tpu.memory_space<vmem>>)
    "tpu.region"() ({
      %run_scoped3A = tpu.sem_alloc : memref<!tpu.dma_semaphore, #tpu.memory_space<semaphore_mem>>
      %dma_start3A_41 = arith.constant 0 : i32
      %dma_start3A_42 = tpu.memref_slice %arg4[%add3A_26, %dma_start3A_41] : memref<327680x64xbf16, #tpu.memory_space<hbm>> -> memref<2048x64xbf16, #tpu.memory_space<hbm>>
      %dma_start3A_43 = arith.constant 0 : i32
      %dma_start3A_44 = tpu.memref_slice %arg4[%add3A_26, %dma_start3A_43] : memref<327680x64xbf16, #tpu.memory_space<hbm>> -> memref<2048x64xbf16, #tpu.memory_space<hbm>>
      tpu.enqueue_dma source(%arg6 : memref<2048x64xbf16, #tpu.memory_space<vmem>>) target(%dma_start3A_44 : memref<2048x64xbf16, #tpu.memory_space<hbm>>) target_semaphore(%run_scoped3A : memref<!tpu.dma_semaphore, #tpu.memory_space<semaphore_mem>>)
      %dma_wait3A_45 = arith.constant 0 : i32
      %dma_wait3A_46 = tpu.memref_slice %arg4[%add3A_26, %dma_wait3A_45] : memref<327680x64xbf16, #tpu.memory_space<hbm>> -> memref<2048x64xbf16, #tpu.memory_space<hbm>>
      %dma_wait3A_47 = arith.constant 0 : i32
      %dma_wait3A_48 = tpu.memref_slice %arg4[%add3A_26, %dma_wait3A_47] : memref<327680x64xbf16, #tpu.memory_space<hbm>> -> memref<2048x64xbf16, #tpu.memory_space<hbm>>
      tpu.wait_dma2 semaphore(%run_scoped3A : memref<!tpu.dma_semaphore, #tpu.memory_space<semaphore_mem>>) src(%arg6 : memref<2048x64xbf16, #tpu.memory_space<vmem>>) dst(%dma_wait3A_48 : memref<2048x64xbf16, #tpu.memory_space<hbm>>)
      tpu.yield
    }) : () -> ()
    %add3A_33 = arith.constant 8192 : i32
    %add3A_34 = arith.addi %mul3A_2, %add3A_33 : i32
    "tpu.region"() ({
      %run_scoped3A = tpu.sem_alloc : memref<!tpu.dma_semaphore, #tpu.memory_space<semaphore_mem>>
      %dma_start3A_41 = tpu.memref_slice %arg2[%add3A_34] : memref<327680xi32, #tpu.memory_space<hbm>> -> memref<2048xi32, #tpu.memory_space<hbm>>
      %dma_start3A_42 = tpu.memref_slice %arg2[%add3A_34] : memref<327680xi32, #tpu.memory_space<hbm>> -> memref<2048xi32, #tpu.memory_space<hbm>>
      tpu.enqueue_dma source(%dma_start3A_42 : memref<2048xi32, #tpu.memory_space<hbm>>) target(%arg5 : memref<2048xi32, #tpu.memory_space<vmem>>) target_semaphore(%run_scoped3A : memref<!tpu.dma_semaphore, #tpu.memory_space<semaphore_mem>>)
      %dma_wait3A_43 = tpu.memref_slice %arg2[%add3A_34] : memref<327680xi32, #tpu.memory_space<hbm>> -> memref<2048xi32, #tpu.memory_space<hbm>>
      %dma_wait3A_44 = tpu.memref_slice %arg2[%add3A_34] : memref<327680xi32, #tpu.memory_space<hbm>> -> memref<2048xi32, #tpu.memory_space<hbm>>
      tpu.wait_dma2 semaphore(%run_scoped3A : memref<!tpu.dma_semaphore, #tpu.memory_space<semaphore_mem>>) src(%dma_wait3A_44 : memref<2048xi32, #tpu.memory_space<hbm>>) dst(%arg5 : memref<2048xi32, #tpu.memory_space<vmem>>)
      tpu.yield
    }) : () -> ()
    %dma_start3A_35 = arith.constant 0 : i32
    %dma_start3A_36 = arith.constant 0 : i32
    %dma_start3A_37 = tpu.memref_slice %arg3[%dma_start3A_35, %dma_start3A_36] : memref<16384x64xbf16, #tpu.memory_space<hbm>> -> memref<16384x64xbf16, #tpu.memory_space<hbm>>
    tpu.enqueue_indirect_dma source(%dma_start3A_37 : memref<16384x64xbf16, #tpu.memory_space<hbm>>) target(%arg6 : memref<2048x64xbf16, #tpu.memory_space<vmem>>) offsets(%arg5 : memref<2048xi32, #tpu.memory_space<vmem>>) semaphore(%arg7 : memref<!tpu.dma_semaphore, #tpu.memory_space<semaphore_mem>>)
    %dma_wait3A_38 = arith.constant 0 : i32
    %dma_wait3A_39 = arith.constant 0 : i32
    %dma_wait3A_40 = tpu.memref_slice %arg3[%dma_wait3A_38, %dma_wait3A_39] : memref<16384x64xbf16, #tpu.memory_space<hbm>> -> memref<16384x64xbf16, #tpu.memory_space<hbm>>
    tpu.wait_indirect_dma semaphore(%arg7 : memref<!tpu.dma_semaphore, #tpu.memory_space<semaphore_mem>>) src(%dma_wait3A_40 : memref<16384x64xbf16, #tpu.memory_space<hbm>>) dst(%arg6 : memref<2048x64xbf16, #tpu.memory_space<vmem>>)
    "tpu.region"() ({
      %run_scoped3A = tpu.sem_alloc : memref<!tpu.dma_semaphore, #tpu.memory_space<semaphore_mem>>
      %dma_start3A_41 = arith.constant 0 : i32
      %dma_start3A_42 = tpu.memref_slice %arg4[%add3A_34, %dma_start3A_41] : memref<327680x64xbf16, #tpu.memory_space<hbm>> -> memref<2048x64xbf16, #tpu.memory_space<hbm>>
      %dma_start3A_43 = arith.constant 0 : i32
      %dma_start3A_44 = tpu.memref_slice %arg4[%add3A_34, %dma_start3A_43] : memref<327680x64xbf16, #tpu.memory_space<hbm>> -> memref<2048x64xbf16, #tpu.memory_space<hbm>>
      tpu.enqueue_dma source(%arg6 : memref<2048x64xbf16, #tpu.memory_space<vmem>>) target(%dma_start3A_44 : memref<2048x64xbf16, #tpu.memory_space<hbm>>) target_semaphore(%run_scoped3A : memref<!tpu.dma_semaphore, #tpu.memory_space<semaphore_mem>>)
      %dma_wait3A_45 = arith.constant 0 : i32
      %dma_wait3A_46 = tpu.memref_slice %arg4[%add3A_34, %dma_wait3A_45] : memref<327680x64xbf16, #tpu.memory_space<hbm>> -> memref<2048x64xbf16, #tpu.memory_space<hbm>>
      %dma_wait3A_47 = arith.constant 0 : i32
      %dma_wait3A_48 = tpu.memref_slice %arg4[%add3A_34, %dma_wait3A_47] : memref<327680x64xbf16, #tpu.memory_space<hbm>> -> memref<2048x64xbf16, #tpu.memory_space<hbm>>
      tpu.wait_dma2 semaphore(%run_scoped3A : memref<!tpu.dma_semaphore, #tpu.memory_space<semaphore_mem>>) src(%arg6 : memref<2048x64xbf16, #tpu.memory_space<vmem>>) dst(%dma_wait3A_48 : memref<2048x64xbf16, #tpu.memory_space<hbm>>)
      tpu.yield
    }) : () -> ()
    return
  }
}

module attributes {stable_mosaic.version = 14 : i64} {
  func.func @_knn_kernel(%arg0: i32, %arg1: i32, %arg2: memref<1x4x2048xf32, #tpu.memory_space<vmem>>, %arg3: memref<1x512x4xf32, #tpu.memory_space<vmem>>, %arg4: memref<4x64xf32, #tpu.memory_space<vmem>>, %arg5: memref<512x20xi32, #tpu.memory_space<vmem>>, %arg6: memref<512x64xbf16, #tpu.memory_space<vmem>>) attributes {dimension_semantics = [#tpu.dimension_semantics<arbitrary>, #tpu.dimension_semantics<arbitrary>], iteration_bounds = array<i64: 8, 4>, scalar_prefetch = 0 : i64, scratch_operands = 0 : i64, tpu.core_type = #tpu.core_type<tc>, window_params = [{transform_indices = @transform_0, window_bounds = array<i64: 1, 4, 2048>}, {transform_indices = @transform_1, window_bounds = array<i64: 1, 512, 4>}, {pipeline_mode = #tpu.pipeline_mode<synchronous>, transform_indices = @transform_2, window_bounds = array<i64: 4, 64>}, {transform_indices = @transform_3, window_bounds = array<i64: 512, 20>}, {transform_indices = @transform_4, window_bounds = array<i64: 512, 64>}]} {
    %get3A = arith.constant 0 : index
    %get3A_0 = arith.constant 0 : index
    %get3A_1 = arith.constant 0 : index
    %get3A_2 = vector.load %arg2[%get3A, %get3A_0, %get3A_1] : memref<1x4x2048xf32, #tpu.memory_space<vmem>>, vector<1x4x2048xf32>
    %get3A_3 = vector.shape_cast %get3A_2 : vector<1x4x2048xf32> to vector<4x2048xf32>
    %get3A_4 = arith.constant 0 : index
    %get3A_5 = arith.constant 0 : index
    %get3A_6 = arith.constant 0 : index
    %get3A_7 = vector.load %arg3[%get3A_4, %get3A_5, %get3A_6] : memref<1x512x4xf32, #tpu.memory_space<vmem>>, vector<1x512x4xf32>
    %get3A_8 = vector.shape_cast %get3A_7 : vector<1x512x4xf32> to vector<512x4xf32>
    %get3A_9 = arith.constant 0 : index
    %get3A_10 = arith.constant 0 : index
    %get3A_11 = vector.load %arg4[%get3A_9, %get3A_10] : memref<4x64xf32, #tpu.memory_space<vmem>>, vector<4x64xf32>
    %dot_general3A = arith.constant dense<0.000000e+00> : vector<512x64xf32>
    %dot_general3A_12 = tpu.matmul %get3A_8, %get3A_11, %dot_general3A {dimension_numbers = #tpu.dot_dimension_numbers<[1], [0], [0], [1], [0, 0, 1, 1], [], []>, precision = #tpu.contract_precision<fp32>, transpose_lhs_hint = false} : vector<512x4xf32>, vector<4x64xf32>, vector<512x64xf32> -> vector<512x64xf32>
    %convert_element_type3A = arith.truncf %dot_general3A_12 : vector<512x64xf32> to vector<512x64xbf16>
    %swap3A = arith.constant 0 : index
    %swap3A_13 = arith.constant 0 : index
    %swap3A_14 = vector.load %arg6[%swap3A, %swap3A_13] : memref<512x64xbf16, #tpu.memory_space<vmem>>, vector<512x64xbf16>
    tpu.vector_store %arg6[%swap3A, %swap3A_13], %convert_element_type3A {strides = array<i32>} : memref<512x64xbf16, #tpu.memory_space<vmem>>, vector<512x64xbf16>,
    %mul3A = arith.mulf %get3A_3, %get3A_3 : vector<4x2048xf32>
    %reduce_sum3A = arith.constant dense<0.000000e+00> : vector<2048xf32>
    %reduce_sum3A_15 = vector.multi_reduction <add>, %mul3A, %reduce_sum3A [0] : vector<4x2048xf32> to vector<2048xf32>
    %broadcast_in_dim3A = vector.shape_cast %reduce_sum3A_15 : vector<2048xf32> to vector<1x2048xf32>
    %mul3A_16 = arith.mulf %get3A_8, %get3A_8 : vector<512x4xf32>
    %reduce_sum3A_17 = arith.constant dense<0.000000e+00> : vector<512xf32>
    %reduce_sum3A_18 = vector.multi_reduction <add>, %mul3A_16, %reduce_sum3A_17 [1] : vector<512x4xf32> to vector<512xf32>
    %broadcast_in_dim3A_19 = vector.shape_cast %reduce_sum3A_18 : vector<512xf32> to vector<512x1xf32>
    %convert_element_type3A_20 = arith.truncf %get3A_8 : vector<512x4xf32> to vector<512x4xbf16>
    %convert_element_type3A_21 = arith.truncf %get3A_3 : vector<4x2048xf32> to vector<4x2048xbf16>
    %dot_general3A_22 = arith.constant dense<0.000000e+00> : vector<512x2048xf32>
    %dot_general3A_23 = tpu.matmul %convert_element_type3A_20, %convert_element_type3A_21, %dot_general3A_22 {dimension_numbers = #tpu.dot_dimension_numbers<[1], [0], [0], [1], [0, 0, 1, 1], [], []>, transpose_lhs_hint = false} : vector<512x4xbf16>, vector<4x2048xbf16>, vector<512x2048xf32> -> vector<512x2048xf32>
    %mul3A_24 = arith.constant -2.000000e+00 : f32
    %mul3A_25 = vector.broadcast %mul3A_24 : f32 to vector<512x2048xf32>
    %mul3A_26 = arith.mulf %mul3A_25, %dot_general3A_23 : vector<512x2048xf32>
    %neg3A = arith.constant 0.000000e+00 : f32
    %neg3A_27 = vector.broadcast %neg3A : f32 to vector<512x1xf32>
    %neg3A_28 = arith.subf %neg3A_27, %broadcast_in_dim3A_19 : vector<512x1xf32>
    %sub3A = vector.broadcast %neg3A_28 : vector<512x1xf32> to vector<512x2048xf32>
    %sub3A_29 = arith.subf %sub3A, %mul3A_26 : vector<512x2048xf32>
    %sub3A_30 = vector.broadcast %broadcast_in_dim3A : vector<1x2048xf32> to vector<512x2048xf32>
    %sub3A_31 = arith.subf %sub3A_29, %sub3A_30 : vector<512x2048xf32>
    %iota3A = tpu.iota {dimensions = array<i32: 1>} : vector<512x2048xi32>
    %iota3A_32 = tpu.iota {dimensions = array<i32: 0>} : vector<512x2048xi32>
    %mul3A_33 = arith.constant 512 : i32
    %mul3A_34 = arith.muli %arg1, %mul3A_33 : i32
    %add3A = vector.broadcast %mul3A_34 : i32 to vector<512x2048xi32>
    %add3A_35 = arith.addi %iota3A_32, %add3A : vector<512x2048xi32>
    %eq3A = arith.cmpi eq, %iota3A, %add3A_35 : vector<512x2048xi32>
    %jit3A = arith.constant 0xFF800000 : f32
    %broadcast_in_dim3A_36 = vector.broadcast %jit3A : f32 to vector<512x2048xf32>
    %select_n3A = arith.select %eq3A, %broadcast_in_dim3A_36, %sub3A_31 : vector<512x2048xi1>, vector<512x2048xf32>
    %iota3A_37 = tpu.iota {dimensions = array<i32: 1>} : vector<512x20xi32>
    %eq3A_38 = arith.constant 0 : i32
    %eq3A_39 = vector.broadcast %eq3A_38 : i32 to vector<512x20xi32>
    %eq3A_40 = arith.cmpi eq, %iota3A_37, %eq3A_39 : vector<512x20xi32>
    %iota3A_41 = tpu.iota {dimensions = array<i32: 0>} : vector<512x20xi32>
    %mul3A_42 = arith.constant 512 : i32
    %mul3A_43 = arith.muli %arg1, %mul3A_42 : i32
    %mul3A_44 = arith.constant 2048 : i32
    %mul3A_45 = arith.muli %arg0, %mul3A_44 : i32
    %add3A_46 = arith.addi %mul3A_43, %mul3A_45 : i32
    %add3A_47 = vector.broadcast %add3A_46 : i32 to vector<512x20xi32>
    %add3A_48 = arith.addi %iota3A_41, %add3A_47 : vector<512x20xi32>
    %jit3A_49 = arith.constant 0 : i32
    %broadcast_in_dim3A_50 = vector.broadcast %jit3A_49 : i32 to vector<512x20xi32>
    %select_n3A_51 = arith.select %eq3A_40, %add3A_48, %broadcast_in_dim3A_50 : vector<512x20xi1>, vector<512x20xi32>
    %argmax3A = tpu.reduce_index %select_n3A {axis = 1 : i32, kind = #tpu.reduction_kind<arg_max>} : vector<512x2048xf32> -> vector<512xi32>
    %broadcast_in_dim3A_52 = vector.shape_cast %argmax3A : vector<512xi32> to vector<512x1xi32>
    %eq3A_53 = vector.broadcast %broadcast_in_dim3A_52 : vector<512x1xi32> to vector<512x2048xi32>
    %eq3A_54 = arith.cmpi eq, %iota3A, %eq3A_53 : vector<512x2048xi32>
    %eq3A_55 = arith.constant 1 : i32
    %eq3A_56 = vector.broadcast %eq3A_55 : i32 to vector<512x20xi32>
    %eq3A_57 = arith.cmpi eq, %iota3A_37, %eq3A_56 : vector<512x20xi32>
    %mul3A_58 = arith.constant 2048 : i32
    %mul3A_59 = arith.muli %arg0, %mul3A_58 : i32
    %add3A_60 = vector.broadcast %mul3A_59 : i32 to vector<512x1xi32>
    %add3A_61 = arith.addi %broadcast_in_dim3A_52, %add3A_60 : vector<512x1xi32>
    %broadcast_in_dim3A_62 = vector.shape_cast %add3A_61 : vector<512x1xi32> to vector<512x1xi32>
    %broadcast_in_dim3A_63 = vector.broadcast %broadcast_in_dim3A_62 : vector<512x1xi32> to vector<512x20xi32>
    %select_n3A_64 = arith.select %eq3A_57, %broadcast_in_dim3A_63, %select_n3A_51 : vector<512x20xi1>, vector<512x20xi32>
    %jit3A_65 = arith.constant 0xFF800000 : f32
    %broadcast_in_dim3A_66 = vector.broadcast %jit3A_65 : f32 to vector<512x2048xf32>
    %select_n3A_67 = arith.select %eq3A_54, %broadcast_in_dim3A_66, %select_n3A : vector<512x2048xi1>, vector<512x2048xf32>
    %argmax3A_68 = tpu.reduce_index %select_n3A_67 {axis = 1 : i32, kind = #tpu.reduction_kind<arg_max>} : vector<512x2048xf32> -> vector<512xi32>
    %broadcast_in_dim3A_69 = vector.shape_cast %argmax3A_68 : vector<512xi32> to vector<512x1xi32>
    %eq3A_70 = vector.broadcast %broadcast_in_dim3A_69 : vector<512x1xi32> to vector<512x2048xi32>
    %eq3A_71 = arith.cmpi eq, %iota3A, %eq3A_70 : vector<512x2048xi32>
    %eq3A_72 = arith.constant 2 : i32
    %eq3A_73 = vector.broadcast %eq3A_72 : i32 to vector<512x20xi32>
    %eq3A_74 = arith.cmpi eq, %iota3A_37, %eq3A_73 : vector<512x20xi32>
    %mul3A_75 = arith.constant 2048 : i32
    %mul3A_76 = arith.muli %arg0, %mul3A_75 : i32
    %add3A_77 = vector.broadcast %mul3A_76 : i32 to vector<512x1xi32>
    %add3A_78 = arith.addi %broadcast_in_dim3A_69, %add3A_77 : vector<512x1xi32>
    %broadcast_in_dim3A_79 = vector.shape_cast %add3A_78 : vector<512x1xi32> to vector<512x1xi32>
    %broadcast_in_dim3A_80 = vector.broadcast %broadcast_in_dim3A_79 : vector<512x1xi32> to vector<512x20xi32>
    %select_n3A_81 = arith.select %eq3A_74, %broadcast_in_dim3A_80, %select_n3A_64 : vector<512x20xi1>, vector<512x20xi32>
    %jit3A_82 = arith.constant 0xFF800000 : f32
    %broadcast_in_dim3A_83 = vector.broadcast %jit3A_82 : f32 to vector<512x2048xf32>
    %select_n3A_84 = arith.select %eq3A_71, %broadcast_in_dim3A_83, %select_n3A_67 : vector<512x2048xi1>, vector<512x2048xf32>
    %argmax3A_85 = tpu.reduce_index %select_n3A_84 {axis = 1 : i32, kind = #tpu.reduction_kind<arg_max>} : vector<512x2048xf32> -> vector<512xi32>
    %broadcast_in_dim3A_86 = vector.shape_cast %argmax3A_85 : vector<512xi32> to vector<512x1xi32>
    %eq3A_87 = vector.broadcast %broadcast_in_dim3A_86 : vector<512x1xi32> to vector<512x2048xi32>
    %eq3A_88 = arith.cmpi eq, %iota3A, %eq3A_87 : vector<512x2048xi32>
    %eq3A_89 = arith.constant 3 : i32
    %eq3A_90 = vector.broadcast %eq3A_89 : i32 to vector<512x20xi32>
    %eq3A_91 = arith.cmpi eq, %iota3A_37, %eq3A_90 : vector<512x20xi32>
    %mul3A_92 = arith.constant 2048 : i32
    %mul3A_93 = arith.muli %arg0, %mul3A_92 : i32
    %add3A_94 = vector.broadcast %mul3A_93 : i32 to vector<512x1xi32>
    %add3A_95 = arith.addi %broadcast_in_dim3A_86, %add3A_94 : vector<512x1xi32>
    %broadcast_in_dim3A_96 = vector.shape_cast %add3A_95 : vector<512x1xi32> to vector<512x1xi32>
    %broadcast_in_dim3A_97 = vector.broadcast %broadcast_in_dim3A_96 : vector<512x1xi32> to vector<512x20xi32>
    %select_n3A_98 = arith.select %eq3A_91, %broadcast_in_dim3A_97, %select_n3A_81 : vector<512x20xi1>, vector<512x20xi32>
    %jit3A_99 = arith.constant 0xFF800000 : f32
    %broadcast_in_dim3A_100 = vector.broadcast %jit3A_99 : f32 to vector<512x2048xf32>
    %select_n3A_101 = arith.select %eq3A_88, %broadcast_in_dim3A_100, %select_n3A_84 : vector<512x2048xi1>, vector<512x2048xf32>
    %argmax3A_102 = tpu.reduce_index %select_n3A_101 {axis = 1 : i32, kind = #tpu.reduction_kind<arg_max>} : vector<512x2048xf32> -> vector<512xi32>
    %broadcast_in_dim3A_103 = vector.shape_cast %argmax3A_102 : vector<512xi32> to vector<512x1xi32>
    %eq3A_104 = vector.broadcast %broadcast_in_dim3A_103 : vector<512x1xi32> to vector<512x2048xi32>
    %eq3A_105 = arith.cmpi eq, %iota3A, %eq3A_104 : vector<512x2048xi32>
    %eq3A_106 = arith.constant 4 : i32
    %eq3A_107 = vector.broadcast %eq3A_106 : i32 to vector<512x20xi32>
    %eq3A_108 = arith.cmpi eq, %iota3A_37, %eq3A_107 : vector<512x20xi32>
    %mul3A_109 = arith.constant 2048 : i32
    %mul3A_110 = arith.muli %arg0, %mul3A_109 : i32
    %add3A_111 = vector.broadcast %mul3A_110 : i32 to vector<512x1xi32>
    %add3A_112 = arith.addi %broadcast_in_dim3A_103, %add3A_111 : vector<512x1xi32>
    %broadcast_in_dim3A_113 = vector.shape_cast %add3A_112 : vector<512x1xi32> to vector<512x1xi32>
    %broadcast_in_dim3A_114 = vector.broadcast %broadcast_in_dim3A_113 : vector<512x1xi32> to vector<512x20xi32>
    %select_n3A_115 = arith.select %eq3A_108, %broadcast_in_dim3A_114, %select_n3A_98 : vector<512x20xi1>, vector<512x20xi32>
    %jit3A_116 = arith.constant 0xFF800000 : f32
    %broadcast_in_dim3A_117 = vector.broadcast %jit3A_116 : f32 to vector<512x2048xf32>
    %select_n3A_118 = arith.select %eq3A_105, %broadcast_in_dim3A_117, %select_n3A_101 : vector<512x2048xi1>, vector<512x2048xf32>
    %argmax3A_119 = tpu.reduce_index %select_n3A_118 {axis = 1 : i32, kind = #tpu.reduction_kind<arg_max>} : vector<512x2048xf32> -> vector<512xi32>
    %broadcast_in_dim3A_120 = vector.shape_cast %argmax3A_119 : vector<512xi32> to vector<512x1xi32>
    %eq3A_121 = vector.broadcast %broadcast_in_dim3A_120 : vector<512x1xi32> to vector<512x2048xi32>
    %eq3A_122 = arith.cmpi eq, %iota3A, %eq3A_121 : vector<512x2048xi32>
    %eq3A_123 = arith.constant 5 : i32
    %eq3A_124 = vector.broadcast %eq3A_123 : i32 to vector<512x20xi32>
    %eq3A_125 = arith.cmpi eq, %iota3A_37, %eq3A_124 : vector<512x20xi32>
    %mul3A_126 = arith.constant 2048 : i32
    %mul3A_127 = arith.muli %arg0, %mul3A_126 : i32
    %add3A_128 = vector.broadcast %mul3A_127 : i32 to vector<512x1xi32>
    %add3A_129 = arith.addi %broadcast_in_dim3A_120, %add3A_128 : vector<512x1xi32>
    %broadcast_in_dim3A_130 = vector.shape_cast %add3A_129 : vector<512x1xi32> to vector<512x1xi32>
    %broadcast_in_dim3A_131 = vector.broadcast %broadcast_in_dim3A_130 : vector<512x1xi32> to vector<512x20xi32>
    %select_n3A_132 = arith.select %eq3A_125, %broadcast_in_dim3A_131, %select_n3A_115 : vector<512x20xi1>, vector<512x20xi32>
    %jit3A_133 = arith.constant 0xFF800000 : f32
    %broadcast_in_dim3A_134 = vector.broadcast %jit3A_133 : f32 to vector<512x2048xf32>
    %select_n3A_135 = arith.select %eq3A_122, %broadcast_in_dim3A_134, %select_n3A_118 : vector<512x2048xi1>, vector<512x2048xf32>
    %argmax3A_136 = tpu.reduce_index %select_n3A_135 {axis = 1 : i32, kind = #tpu.reduction_kind<arg_max>} : vector<512x2048xf32> -> vector<512xi32>
    %broadcast_in_dim3A_137 = vector.shape_cast %argmax3A_136 : vector<512xi32> to vector<512x1xi32>
    %eq3A_138 = vector.broadcast %broadcast_in_dim3A_137 : vector<512x1xi32> to vector<512x2048xi32>
    %eq3A_139 = arith.cmpi eq, %iota3A, %eq3A_138 : vector<512x2048xi32>
    %eq3A_140 = arith.constant 6 : i32
    %eq3A_141 = vector.broadcast %eq3A_140 : i32 to vector<512x20xi32>
    %eq3A_142 = arith.cmpi eq, %iota3A_37, %eq3A_141 : vector<512x20xi32>
    %mul3A_143 = arith.constant 2048 : i32
    %mul3A_144 = arith.muli %arg0, %mul3A_143 : i32
    %add3A_145 = vector.broadcast %mul3A_144 : i32 to vector<512x1xi32>
    %add3A_146 = arith.addi %broadcast_in_dim3A_137, %add3A_145 : vector<512x1xi32>
    %broadcast_in_dim3A_147 = vector.shape_cast %add3A_146 : vector<512x1xi32> to vector<512x1xi32>
    %broadcast_in_dim3A_148 = vector.broadcast %broadcast_in_dim3A_147 : vector<512x1xi32> to vector<512x20xi32>
    %select_n3A_149 = arith.select %eq3A_142, %broadcast_in_dim3A_148, %select_n3A_132 : vector<512x20xi1>, vector<512x20xi32>
    %jit3A_150 = arith.constant 0xFF800000 : f32
    %broadcast_in_dim3A_151 = vector.broadcast %jit3A_150 : f32 to vector<512x2048xf32>
    %select_n3A_152 = arith.select %eq3A_139, %broadcast_in_dim3A_151, %select_n3A_135 : vector<512x2048xi1>, vector<512x2048xf32>
    %argmax3A_153 = tpu.reduce_index %select_n3A_152 {axis = 1 : i32, kind = #tpu.reduction_kind<arg_max>} : vector<512x2048xf32> -> vector<512xi32>
    %broadcast_in_dim3A_154 = vector.shape_cast %argmax3A_153 : vector<512xi32> to vector<512x1xi32>
    %eq3A_155 = vector.broadcast %broadcast_in_dim3A_154 : vector<512x1xi32> to vector<512x2048xi32>
    %eq3A_156 = arith.cmpi eq, %iota3A, %eq3A_155 : vector<512x2048xi32>
    %eq3A_157 = arith.constant 7 : i32
    %eq3A_158 = vector.broadcast %eq3A_157 : i32 to vector<512x20xi32>
    %eq3A_159 = arith.cmpi eq, %iota3A_37, %eq3A_158 : vector<512x20xi32>
    %mul3A_160 = arith.constant 2048 : i32
    %mul3A_161 = arith.muli %arg0, %mul3A_160 : i32
    %add3A_162 = vector.broadcast %mul3A_161 : i32 to vector<512x1xi32>
    %add3A_163 = arith.addi %broadcast_in_dim3A_154, %add3A_162 : vector<512x1xi32>
    %broadcast_in_dim3A_164 = vector.shape_cast %add3A_163 : vector<512x1xi32> to vector<512x1xi32>
    %broadcast_in_dim3A_165 = vector.broadcast %broadcast_in_dim3A_164 : vector<512x1xi32> to vector<512x20xi32>
    %select_n3A_166 = arith.select %eq3A_159, %broadcast_in_dim3A_165, %select_n3A_149 : vector<512x20xi1>, vector<512x20xi32>
    %jit3A_167 = arith.constant 0xFF800000 : f32
    %broadcast_in_dim3A_168 = vector.broadcast %jit3A_167 : f32 to vector<512x2048xf32>
    %select_n3A_169 = arith.select %eq3A_156, %broadcast_in_dim3A_168, %select_n3A_152 : vector<512x2048xi1>, vector<512x2048xf32>
    %argmax3A_170 = tpu.reduce_index %select_n3A_169 {axis = 1 : i32, kind = #tpu.reduction_kind<arg_max>} : vector<512x2048xf32> -> vector<512xi32>
    %broadcast_in_dim3A_171 = vector.shape_cast %argmax3A_170 : vector<512xi32> to vector<512x1xi32>
    %eq3A_172 = vector.broadcast %broadcast_in_dim3A_171 : vector<512x1xi32> to vector<512x2048xi32>
    %eq3A_173 = arith.cmpi eq, %iota3A, %eq3A_172 : vector<512x2048xi32>
    %eq3A_174 = arith.constant 8 : i32
    %eq3A_175 = vector.broadcast %eq3A_174 : i32 to vector<512x20xi32>
    %eq3A_176 = arith.cmpi eq, %iota3A_37, %eq3A_175 : vector<512x20xi32>
    %mul3A_177 = arith.constant 2048 : i32
    %mul3A_178 = arith.muli %arg0, %mul3A_177 : i32
    %add3A_179 = vector.broadcast %mul3A_178 : i32 to vector<512x1xi32>
    %add3A_180 = arith.addi %broadcast_in_dim3A_171, %add3A_179 : vector<512x1xi32>
    %broadcast_in_dim3A_181 = vector.shape_cast %add3A_180 : vector<512x1xi32> to vector<512x1xi32>
    %broadcast_in_dim3A_182 = vector.broadcast %broadcast_in_dim3A_181 : vector<512x1xi32> to vector<512x20xi32>
    %select_n3A_183 = arith.select %eq3A_176, %broadcast_in_dim3A_182, %select_n3A_166 : vector<512x20xi1>, vector<512x20xi32>
    %jit3A_184 = arith.constant 0xFF800000 : f32
    %broadcast_in_dim3A_185 = vector.broadcast %jit3A_184 : f32 to vector<512x2048xf32>
    %select_n3A_186 = arith.select %eq3A_173, %broadcast_in_dim3A_185, %select_n3A_169 : vector<512x2048xi1>, vector<512x2048xf32>
    %argmax3A_187 = tpu.reduce_index %select_n3A_186 {axis = 1 : i32, kind = #tpu.reduction_kind<arg_max>} : vector<512x2048xf32> -> vector<512xi32>
    %broadcast_in_dim3A_188 = vector.shape_cast %argmax3A_187 : vector<512xi32> to vector<512x1xi32>
    %eq3A_189 = vector.broadcast %broadcast_in_dim3A_188 : vector<512x1xi32> to vector<512x2048xi32>
    %eq3A_190 = arith.cmpi eq, %iota3A, %eq3A_189 : vector<512x2048xi32>
    %eq3A_191 = arith.constant 9 : i32
    %eq3A_192 = vector.broadcast %eq3A_191 : i32 to vector<512x20xi32>
    %eq3A_193 = arith.cmpi eq, %iota3A_37, %eq3A_192 : vector<512x20xi32>
    %mul3A_194 = arith.constant 2048 : i32
    %mul3A_195 = arith.muli %arg0, %mul3A_194 : i32
    %add3A_196 = vector.broadcast %mul3A_195 : i32 to vector<512x1xi32>
    %add3A_197 = arith.addi %broadcast_in_dim3A_188, %add3A_196 : vector<512x1xi32>
    %broadcast_in_dim3A_198 = vector.shape_cast %add3A_197 : vector<512x1xi32> to vector<512x1xi32>
    %broadcast_in_dim3A_199 = vector.broadcast %broadcast_in_dim3A_198 : vector<512x1xi32> to vector<512x20xi32>
    %select_n3A_200 = arith.select %eq3A_193, %broadcast_in_dim3A_199, %select_n3A_183 : vector<512x20xi1>, vector<512x20xi32>
    %jit3A_201 = arith.constant 0xFF800000 : f32
    %broadcast_in_dim3A_202 = vector.broadcast %jit3A_201 : f32 to vector<512x2048xf32>
    %select_n3A_203 = arith.select %eq3A_190, %broadcast_in_dim3A_202, %select_n3A_186 : vector<512x2048xi1>, vector<512x2048xf32>
    %argmax3A_204 = tpu.reduce_index %select_n3A_203 {axis = 1 : i32, kind = #tpu.reduction_kind<arg_max>} : vector<512x2048xf32> -> vector<512xi32>
    %broadcast_in_dim3A_205 = vector.shape_cast %argmax3A_204 : vector<512xi32> to vector<512x1xi32>
    %eq3A_206 = vector.broadcast %broadcast_in_dim3A_205 : vector<512x1xi32> to vector<512x2048xi32>
    %eq3A_207 = arith.cmpi eq, %iota3A, %eq3A_206 : vector<512x2048xi32>
    %eq3A_208 = arith.constant 10 : i32
    %eq3A_209 = vector.broadcast %eq3A_208 : i32 to vector<512x20xi32>
    %eq3A_210 = arith.cmpi eq, %iota3A_37, %eq3A_209 : vector<512x20xi32>
    %mul3A_211 = arith.constant 2048 : i32
    %mul3A_212 = arith.muli %arg0, %mul3A_211 : i32
    %add3A_213 = vector.broadcast %mul3A_212 : i32 to vector<512x1xi32>
    %add3A_214 = arith.addi %broadcast_in_dim3A_205, %add3A_213 : vector<512x1xi32>
    %broadcast_in_dim3A_215 = vector.shape_cast %add3A_214 : vector<512x1xi32> to vector<512x1xi32>
    %broadcast_in_dim3A_216 = vector.broadcast %broadcast_in_dim3A_215 : vector<512x1xi32> to vector<512x20xi32>
    %select_n3A_217 = arith.select %eq3A_210, %broadcast_in_dim3A_216, %select_n3A_200 : vector<512x20xi1>, vector<512x20xi32>
    %jit3A_218 = arith.constant 0xFF800000 : f32
    %broadcast_in_dim3A_219 = vector.broadcast %jit3A_218 : f32 to vector<512x2048xf32>
    %select_n3A_220 = arith.select %eq3A_207, %broadcast_in_dim3A_219, %select_n3A_203 : vector<512x2048xi1>, vector<512x2048xf32>
    %argmax3A_221 = tpu.reduce_index %select_n3A_220 {axis = 1 : i32, kind = #tpu.reduction_kind<arg_max>} : vector<512x2048xf32> -> vector<512xi32>
    %broadcast_in_dim3A_222 = vector.shape_cast %argmax3A_221 : vector<512xi32> to vector<512x1xi32>
    %eq3A_223 = vector.broadcast %broadcast_in_dim3A_222 : vector<512x1xi32> to vector<512x2048xi32>
    %eq3A_224 = arith.cmpi eq, %iota3A, %eq3A_223 : vector<512x2048xi32>
    %eq3A_225 = arith.constant 11 : i32
    %eq3A_226 = vector.broadcast %eq3A_225 : i32 to vector<512x20xi32>
    %eq3A_227 = arith.cmpi eq, %iota3A_37, %eq3A_226 : vector<512x20xi32>
    %mul3A_228 = arith.constant 2048 : i32
    %mul3A_229 = arith.muli %arg0, %mul3A_228 : i32
    %add3A_230 = vector.broadcast %mul3A_229 : i32 to vector<512x1xi32>
    %add3A_231 = arith.addi %broadcast_in_dim3A_222, %add3A_230 : vector<512x1xi32>
    %broadcast_in_dim3A_232 = vector.shape_cast %add3A_231 : vector<512x1xi32> to vector<512x1xi32>
    %broadcast_in_dim3A_233 = vector.broadcast %broadcast_in_dim3A_232 : vector<512x1xi32> to vector<512x20xi32>
    %select_n3A_234 = arith.select %eq3A_227, %broadcast_in_dim3A_233, %select_n3A_217 : vector<512x20xi1>, vector<512x20xi32>
    %jit3A_235 = arith.constant 0xFF800000 : f32
    %broadcast_in_dim3A_236 = vector.broadcast %jit3A_235 : f32 to vector<512x2048xf32>
    %select_n3A_237 = arith.select %eq3A_224, %broadcast_in_dim3A_236, %select_n3A_220 : vector<512x2048xi1>, vector<512x2048xf32>
    %argmax3A_238 = tpu.reduce_index %select_n3A_237 {axis = 1 : i32, kind = #tpu.reduction_kind<arg_max>} : vector<512x2048xf32> -> vector<512xi32>
    %broadcast_in_dim3A_239 = vector.shape_cast %argmax3A_238 : vector<512xi32> to vector<512x1xi32>
    %eq3A_240 = vector.broadcast %broadcast_in_dim3A_239 : vector<512x1xi32> to vector<512x2048xi32>
    %eq3A_241 = arith.cmpi eq, %iota3A, %eq3A_240 : vector<512x2048xi32>
    %eq3A_242 = arith.constant 12 : i32
    %eq3A_243 = vector.broadcast %eq3A_242 : i32 to vector<512x20xi32>
    %eq3A_244 = arith.cmpi eq, %iota3A_37, %eq3A_243 : vector<512x20xi32>
    %mul3A_245 = arith.constant 2048 : i32
    %mul3A_246 = arith.muli %arg0, %mul3A_245 : i32
    %add3A_247 = vector.broadcast %mul3A_246 : i32 to vector<512x1xi32>
    %add3A_248 = arith.addi %broadcast_in_dim3A_239, %add3A_247 : vector<512x1xi32>
    %broadcast_in_dim3A_249 = vector.shape_cast %add3A_248 : vector<512x1xi32> to vector<512x1xi32>
    %broadcast_in_dim3A_250 = vector.broadcast %broadcast_in_dim3A_249 : vector<512x1xi32> to vector<512x20xi32>
    %select_n3A_251 = arith.select %eq3A_244, %broadcast_in_dim3A_250, %select_n3A_234 : vector<512x20xi1>, vector<512x20xi32>
    %jit3A_252 = arith.constant 0xFF800000 : f32
    %broadcast_in_dim3A_253 = vector.broadcast %jit3A_252 : f32 to vector<512x2048xf32>
    %select_n3A_254 = arith.select %eq3A_241, %broadcast_in_dim3A_253, %select_n3A_237 : vector<512x2048xi1>, vector<512x2048xf32>
    %argmax3A_255 = tpu.reduce_index %select_n3A_254 {axis = 1 : i32, kind = #tpu.reduction_kind<arg_max>} : vector<512x2048xf32> -> vector<512xi32>
    %broadcast_in_dim3A_256 = vector.shape_cast %argmax3A_255 : vector<512xi32> to vector<512x1xi32>
    %eq3A_257 = vector.broadcast %broadcast_in_dim3A_256 : vector<512x1xi32> to vector<512x2048xi32>
    %eq3A_258 = arith.cmpi eq, %iota3A, %eq3A_257 : vector<512x2048xi32>
    %eq3A_259 = arith.constant 13 : i32
    %eq3A_260 = vector.broadcast %eq3A_259 : i32 to vector<512x20xi32>
    %eq3A_261 = arith.cmpi eq, %iota3A_37, %eq3A_260 : vector<512x20xi32>
    %mul3A_262 = arith.constant 2048 : i32
    %mul3A_263 = arith.muli %arg0, %mul3A_262 : i32
    %add3A_264 = vector.broadcast %mul3A_263 : i32 to vector<512x1xi32>
    %add3A_265 = arith.addi %broadcast_in_dim3A_256, %add3A_264 : vector<512x1xi32>
    %broadcast_in_dim3A_266 = vector.shape_cast %add3A_265 : vector<512x1xi32> to vector<512x1xi32>
    %broadcast_in_dim3A_267 = vector.broadcast %broadcast_in_dim3A_266 : vector<512x1xi32> to vector<512x20xi32>
    %select_n3A_268 = arith.select %eq3A_261, %broadcast_in_dim3A_267, %select_n3A_251 : vector<512x20xi1>, vector<512x20xi32>
    %jit3A_269 = arith.constant 0xFF800000 : f32
    %broadcast_in_dim3A_270 = vector.broadcast %jit3A_269 : f32 to vector<512x2048xf32>
    %select_n3A_271 = arith.select %eq3A_258, %broadcast_in_dim3A_270, %select_n3A_254 : vector<512x2048xi1>, vector<512x2048xf32>
    %argmax3A_272 = tpu.reduce_index %select_n3A_271 {axis = 1 : i32, kind = #tpu.reduction_kind<arg_max>} : vector<512x2048xf32> -> vector<512xi32>
    %broadcast_in_dim3A_273 = vector.shape_cast %argmax3A_272 : vector<512xi32> to vector<512x1xi32>
    %eq3A_274 = vector.broadcast %broadcast_in_dim3A_273 : vector<512x1xi32> to vector<512x2048xi32>
    %eq3A_275 = arith.cmpi eq, %iota3A, %eq3A_274 : vector<512x2048xi32>
    %eq3A_276 = arith.constant 14 : i32
    %eq3A_277 = vector.broadcast %eq3A_276 : i32 to vector<512x20xi32>
    %eq3A_278 = arith.cmpi eq, %iota3A_37, %eq3A_277 : vector<512x20xi32>
    %mul3A_279 = arith.constant 2048 : i32
    %mul3A_280 = arith.muli %arg0, %mul3A_279 : i32
    %add3A_281 = vector.broadcast %mul3A_280 : i32 to vector<512x1xi32>
    %add3A_282 = arith.addi %broadcast_in_dim3A_273, %add3A_281 : vector<512x1xi32>
    %broadcast_in_dim3A_283 = vector.shape_cast %add3A_282 : vector<512x1xi32> to vector<512x1xi32>
    %broadcast_in_dim3A_284 = vector.broadcast %broadcast_in_dim3A_283 : vector<512x1xi32> to vector<512x20xi32>
    %select_n3A_285 = arith.select %eq3A_278, %broadcast_in_dim3A_284, %select_n3A_268 : vector<512x20xi1>, vector<512x20xi32>
    %jit3A_286 = arith.constant 0xFF800000 : f32
    %broadcast_in_dim3A_287 = vector.broadcast %jit3A_286 : f32 to vector<512x2048xf32>
    %select_n3A_288 = arith.select %eq3A_275, %broadcast_in_dim3A_287, %select_n3A_271 : vector<512x2048xi1>, vector<512x2048xf32>
    %argmax3A_289 = tpu.reduce_index %select_n3A_288 {axis = 1 : i32, kind = #tpu.reduction_kind<arg_max>} : vector<512x2048xf32> -> vector<512xi32>
    %broadcast_in_dim3A_290 = vector.shape_cast %argmax3A_289 : vector<512xi32> to vector<512x1xi32>
    %eq3A_291 = vector.broadcast %broadcast_in_dim3A_290 : vector<512x1xi32> to vector<512x2048xi32>
    %eq3A_292 = arith.cmpi eq, %iota3A, %eq3A_291 : vector<512x2048xi32>
    %eq3A_293 = arith.constant 15 : i32
    %eq3A_294 = vector.broadcast %eq3A_293 : i32 to vector<512x20xi32>
    %eq3A_295 = arith.cmpi eq, %iota3A_37, %eq3A_294 : vector<512x20xi32>
    %mul3A_296 = arith.constant 2048 : i32
    %mul3A_297 = arith.muli %arg0, %mul3A_296 : i32
    %add3A_298 = vector.broadcast %mul3A_297 : i32 to vector<512x1xi32>
    %add3A_299 = arith.addi %broadcast_in_dim3A_290, %add3A_298 : vector<512x1xi32>
    %broadcast_in_dim3A_300 = vector.shape_cast %add3A_299 : vector<512x1xi32> to vector<512x1xi32>
    %broadcast_in_dim3A_301 = vector.broadcast %broadcast_in_dim3A_300 : vector<512x1xi32> to vector<512x20xi32>
    %select_n3A_302 = arith.select %eq3A_295, %broadcast_in_dim3A_301, %select_n3A_285 : vector<512x20xi1>, vector<512x20xi32>
    %jit3A_303 = arith.constant 0xFF800000 : f32
    %broadcast_in_dim3A_304 = vector.broadcast %jit3A_303 : f32 to vector<512x2048xf32>
    %select_n3A_305 = arith.select %eq3A_292, %broadcast_in_dim3A_304, %select_n3A_288 : vector<512x2048xi1>, vector<512x2048xf32>
    %argmax3A_306 = tpu.reduce_index %select_n3A_305 {axis = 1 : i32, kind = #tpu.reduction_kind<arg_max>} : vector<512x2048xf32> -> vector<512xi32>
    %broadcast_in_dim3A_307 = vector.shape_cast %argmax3A_306 : vector<512xi32> to vector<512x1xi32>
    %eq3A_308 = vector.broadcast %broadcast_in_dim3A_307 : vector<512x1xi32> to vector<512x2048xi32>
    %eq3A_309 = arith.cmpi eq, %iota3A, %eq3A_308 : vector<512x2048xi32>
    %eq3A_310 = arith.constant 16 : i32
    %eq3A_311 = vector.broadcast %eq3A_310 : i32 to vector<512x20xi32>
    %eq3A_312 = arith.cmpi eq, %iota3A_37, %eq3A_311 : vector<512x20xi32>
    %mul3A_313 = arith.constant 2048 : i32
    %mul3A_314 = arith.muli %arg0, %mul3A_313 : i32
    %add3A_315 = vector.broadcast %mul3A_314 : i32 to vector<512x1xi32>
    %add3A_316 = arith.addi %broadcast_in_dim3A_307, %add3A_315 : vector<512x1xi32>
    %broadcast_in_dim3A_317 = vector.shape_cast %add3A_316 : vector<512x1xi32> to vector<512x1xi32>
    %broadcast_in_dim3A_318 = vector.broadcast %broadcast_in_dim3A_317 : vector<512x1xi32> to vector<512x20xi32>
    %select_n3A_319 = arith.select %eq3A_312, %broadcast_in_dim3A_318, %select_n3A_302 : vector<512x20xi1>, vector<512x20xi32>
    %jit3A_320 = arith.constant 0xFF800000 : f32
    %broadcast_in_dim3A_321 = vector.broadcast %jit3A_320 : f32 to vector<512x2048xf32>
    %select_n3A_322 = arith.select %eq3A_309, %broadcast_in_dim3A_321, %select_n3A_305 : vector<512x2048xi1>, vector<512x2048xf32>
    %argmax3A_323 = tpu.reduce_index %select_n3A_322 {axis = 1 : i32, kind = #tpu.reduction_kind<arg_max>} : vector<512x2048xf32> -> vector<512xi32>
    %broadcast_in_dim3A_324 = vector.shape_cast %argmax3A_323 : vector<512xi32> to vector<512x1xi32>
    %eq3A_325 = vector.broadcast %broadcast_in_dim3A_324 : vector<512x1xi32> to vector<512x2048xi32>
    %eq3A_326 = arith.cmpi eq, %iota3A, %eq3A_325 : vector<512x2048xi32>
    %eq3A_327 = arith.constant 17 : i32
    %eq3A_328 = vector.broadcast %eq3A_327 : i32 to vector<512x20xi32>
    %eq3A_329 = arith.cmpi eq, %iota3A_37, %eq3A_328 : vector<512x20xi32>
    %mul3A_330 = arith.constant 2048 : i32
    %mul3A_331 = arith.muli %arg0, %mul3A_330 : i32
    %add3A_332 = vector.broadcast %mul3A_331 : i32 to vector<512x1xi32>
    %add3A_333 = arith.addi %broadcast_in_dim3A_324, %add3A_332 : vector<512x1xi32>
    %broadcast_in_dim3A_334 = vector.shape_cast %add3A_333 : vector<512x1xi32> to vector<512x1xi32>
    %broadcast_in_dim3A_335 = vector.broadcast %broadcast_in_dim3A_334 : vector<512x1xi32> to vector<512x20xi32>
    %select_n3A_336 = arith.select %eq3A_329, %broadcast_in_dim3A_335, %select_n3A_319 : vector<512x20xi1>, vector<512x20xi32>
    %jit3A_337 = arith.constant 0xFF800000 : f32
    %broadcast_in_dim3A_338 = vector.broadcast %jit3A_337 : f32 to vector<512x2048xf32>
    %select_n3A_339 = arith.select %eq3A_326, %broadcast_in_dim3A_338, %select_n3A_322 : vector<512x2048xi1>, vector<512x2048xf32>
    %argmax3A_340 = tpu.reduce_index %select_n3A_339 {axis = 1 : i32, kind = #tpu.reduction_kind<arg_max>} : vector<512x2048xf32> -> vector<512xi32>
    %broadcast_in_dim3A_341 = vector.shape_cast %argmax3A_340 : vector<512xi32> to vector<512x1xi32>
    %eq3A_342 = vector.broadcast %broadcast_in_dim3A_341 : vector<512x1xi32> to vector<512x2048xi32>
    %eq3A_343 = arith.cmpi eq, %iota3A, %eq3A_342 : vector<512x2048xi32>
    %eq3A_344 = arith.constant 18 : i32
    %eq3A_345 = vector.broadcast %eq3A_344 : i32 to vector<512x20xi32>
    %eq3A_346 = arith.cmpi eq, %iota3A_37, %eq3A_345 : vector<512x20xi32>
    %mul3A_347 = arith.constant 2048 : i32
    %mul3A_348 = arith.muli %arg0, %mul3A_347 : i32
    %add3A_349 = vector.broadcast %mul3A_348 : i32 to vector<512x1xi32>
    %add3A_350 = arith.addi %broadcast_in_dim3A_341, %add3A_349 : vector<512x1xi32>
    %broadcast_in_dim3A_351 = vector.shape_cast %add3A_350 : vector<512x1xi32> to vector<512x1xi32>
    %broadcast_in_dim3A_352 = vector.broadcast %broadcast_in_dim3A_351 : vector<512x1xi32> to vector<512x20xi32>
    %select_n3A_353 = arith.select %eq3A_346, %broadcast_in_dim3A_352, %select_n3A_336 : vector<512x20xi1>, vector<512x20xi32>
    %jit3A_354 = arith.constant 0xFF800000 : f32
    %broadcast_in_dim3A_355 = vector.broadcast %jit3A_354 : f32 to vector<512x2048xf32>
    %select_n3A_356 = arith.select %eq3A_343, %broadcast_in_dim3A_355, %select_n3A_339 : vector<512x2048xi1>, vector<512x2048xf32>
    %argmax3A_357 = tpu.reduce_index %select_n3A_356 {axis = 1 : i32, kind = #tpu.reduction_kind<arg_max>} : vector<512x2048xf32> -> vector<512xi32>
    %broadcast_in_dim3A_358 = vector.shape_cast %argmax3A_357 : vector<512xi32> to vector<512x1xi32>
    %eq3A_359 = arith.constant 19 : i32
    %eq3A_360 = vector.broadcast %eq3A_359 : i32 to vector<512x20xi32>
    %eq3A_361 = arith.cmpi eq, %iota3A_37, %eq3A_360 : vector<512x20xi32>
    %mul3A_362 = arith.constant 2048 : i32
    %mul3A_363 = arith.muli %arg0, %mul3A_362 : i32
    %add3A_364 = vector.broadcast %mul3A_363 : i32 to vector<512x1xi32>
    %add3A_365 = arith.addi %broadcast_in_dim3A_358, %add3A_364 : vector<512x1xi32>
    %broadcast_in_dim3A_366 = vector.shape_cast %add3A_365 : vector<512x1xi32> to vector<512x1xi32>
    %broadcast_in_dim3A_367 = vector.broadcast %broadcast_in_dim3A_366 : vector<512x1xi32> to vector<512x20xi32>
    %select_n3A_368 = arith.select %eq3A_361, %broadcast_in_dim3A_367, %select_n3A_353 : vector<512x20xi1>, vector<512x20xi32>
    %swap3A_369 = arith.constant 0 : index
    %swap3A_370 = arith.constant 0 : index
    %swap3A_371 = vector.load %arg5[%swap3A_369, %swap3A_370] : memref<512x20xi32, #tpu.memory_space<vmem>>, vector<512x20xi32>
    tpu.vector_store %arg5[%swap3A_369, %swap3A_370], %select_n3A_368 {strides = array<i32>} : memref<512x20xi32, #tpu.memory_space<vmem>>, vector<512x20xi32>,
    return
  }
  func.func @transform_0(%arg0: i32, %arg1: i32) -> (i32, i32, i32) {
    %c0_i32 = arith.constant 0 : i32
    %c0_i32_0 = arith.constant 0 : i32
    %c0_i32_1 = arith.constant 0 : i32
    return %arg0, %c0_i32, %c0_i32_0 : i32, i32, i32
  }
  func.func @transform_1(%arg0: i32, %arg1: i32) -> (i32, i32, i32) {
    %c0_i32 = arith.constant 0 : i32
    %c0_i32_0 = arith.constant 0 : i32
    return %arg0, %arg1, %c0_i32 : i32, i32, i32
  }
  func.func @transform_2(%arg0: i32, %arg1: i32) -> (i32, i32) {
    %c0_i32 = arith.constant 0 : i32
    %c0_i32_0 = arith.constant 0 : i32
    %c0_i32_1 = arith.constant 0 : i32
    return %c0_i32, %c0_i32_0 : i32, i32
  }
  func.func @transform_3(%arg0: i32, %arg1: i32) -> (i32, i32) {
    %mul3A = arith.constant 4 : i32
    %mul3A_0 = arith.muli %arg0, %mul3A : i32
    %add3A = arith.addi %mul3A_0, %arg1 : i32
    %c0_i32 = arith.constant 0 : i32
    %c0_i32_1 = arith.constant 0 : i32
    return %add3A, %c0_i32 : i32, i32
  }
  func.func @transform_4(%arg0: i32, %arg1: i32) -> (i32, i32) {
    %mul3A = arith.constant 4 : i32
    %mul3A_0 = arith.muli %arg0, %mul3A : i32
    %add3A = arith.addi %mul3A_0, %arg1 : i32
    %c0_i32 = arith.constant 0 : i32
    %c0_i32_1 = arith.constant 0 : i32
    return %add3A, %c0_i32 : i32, i32
  }
}

module attributes {stable_mosaic.version = 14 : i64} {
  func.func @_edge_kernel(%arg0: i32, %arg1: i32, %arg2: memref<20x512x64xbf16, #tpu.memory_space<vmem>>, %arg3: memref<1x512x4xf32, #tpu.memory_space<vmem>>, %arg4: memref<4x64xf32, #tpu.memory_space<vmem>>, %arg5: memref<1x64xf32, #tpu.memory_space<vmem>>, %arg6: memref<1x64xf32, #tpu.memory_space<vmem>>, %arg7: memref<64x128xf32, #tpu.memory_space<vmem>>, %arg8: memref<1x128xf32, #tpu.memory_space<vmem>>, %arg9: memref<1x128xf32, #tpu.memory_space<vmem>>, %arg10: memref<128x128xf32, #tpu.memory_space<vmem>>, %arg11: memref<1x128xf32, #tpu.memory_space<vmem>>, %arg12: memref<128x32xf32, #tpu.memory_space<vmem>>, %arg13: memref<64x40xf32, #tpu.memory_space<vmem>>, %arg14: memref<1x40xf32, #tpu.memory_space<vmem>>, %arg15: memref<1x1x40xf32, #tpu.memory_space<vmem>>, %arg16: memref<1x32xf32, #tpu.memory_space<vmem>>, %arg17: memref<1x32xf32, #tpu.memory_space<vmem>>) attributes {dimension_semantics = [#tpu.dimension_semantics<arbitrary>, #tpu.dimension_semantics<arbitrary>], iteration_bounds = array<i64: 8, 4>, scalar_prefetch = 0 : i64, scratch_operands = 2 : i64, tpu.core_type = #tpu.core_type<tc>, window_params = [{transform_indices = @transform_0, window_bounds = array<i64: 20, 512, 64>}, {transform_indices = @transform_1, window_bounds = array<i64: 1, 512, 4>}, {pipeline_mode = #tpu.pipeline_mode<synchronous>, transform_indices = @transform_2, window_bounds = array<i64: 4, 64>}, {pipeline_mode = #tpu.pipeline_mode<synchronous>, transform_indices = @transform_3, window_bounds = array<i64: 1, 64>}, {pipeline_mode = #tpu.pipeline_mode<synchronous>, transform_indices = @transform_4, window_bounds = array<i64: 1, 64>}, {pipeline_mode = #tpu.pipeline_mode<synchronous>, transform_indices = @transform_5, window_bounds = array<i64: 64, 128>}, {pipeline_mode = #tpu.pipeline_mode<synchronous>, transform_indices = @transform_6, window_bounds = array<i64: 1, 128>}, {pipeline_mode = #tpu.pipeline_mode<synchronous>, transform_indices = @transform_7, window_bounds = array<i64: 1, 128>}, {pipeline_mode = #tpu.pipeline_mode<synchronous>, transform_indices = @transform_8, window_bounds = array<i64: 128, 128>}, {pipeline_mode = #tpu.pipeline_mode<synchronous>, transform_indices = @transform_9, window_bounds = array<i64: 1, 128>}, {pipeline_mode = #tpu.pipeline_mode<synchronous>, transform_indices = @transform_10, window_bounds = array<i64: 128, 32>}, {pipeline_mode = #tpu.pipeline_mode<synchronous>, transform_indices = @transform_11, window_bounds = array<i64: 64, 40>}, {pipeline_mode = #tpu.pipeline_mode<synchronous>, transform_indices = @transform_12, window_bounds = array<i64: 1, 40>}, {transform_indices = @transform_13, window_bounds = array<i64: 1, 1, 40>}]} {
    %get3A = arith.constant 0 : index
    %get3A_0 = arith.constant 0 : index
    %get3A_1 = arith.constant 0 : index
    %get3A_2 = vector.load %arg3[%get3A, %get3A_0, %get3A_1] : memref<1x512x4xf32, #tpu.memory_space<vmem>>, vector<1x512x4xf32>
    %get3A_3 = vector.shape_cast %get3A_2 : vector<1x512x4xf32> to vector<512x4xf32>
    %get3A_4 = arith.constant 0 : index
    %get3A_5 = arith.constant 0 : index
    %get3A_6 = arith.constant 0 : index
    %get3A_7 = vector.load %arg2[%get3A_4, %get3A_5, %get3A_6] : memref<20x512x64xbf16, #tpu.memory_space<vmem>>, vector<1x512x64xbf16>
    %get3A_8 = vector.shape_cast %get3A_7 : vector<1x512x64xbf16> to vector<512x64xbf16>
    %get3A_9 = arith.constant 1 : index
    %get3A_10 = arith.constant 0 : index
    %get3A_11 = arith.constant 0 : index
    %get3A_12 = vector.load %arg2[%get3A_9, %get3A_10, %get3A_11] : memref<20x512x64xbf16, #tpu.memory_space<vmem>>, vector<1x512x64xbf16>
    %get3A_13 = vector.shape_cast %get3A_12 : vector<1x512x64xbf16> to vector<512x64xbf16>
    %max3A = arith.maximumf %get3A_8, %get3A_13 : vector<512x64xbf16>
    %min3A = arith.minimumf %get3A_8, %get3A_13 : vector<512x64xbf16>
    %get3A_14 = arith.constant 2 : index
    %get3A_15 = arith.constant 0 : index
    %get3A_16 = arith.constant 0 : index
    %get3A_17 = vector.load %arg2[%get3A_14, %get3A_15, %get3A_16] : memref<20x512x64xbf16, #tpu.memory_space<vmem>>, vector<1x512x64xbf16>
    %get3A_18 = vector.shape_cast %get3A_17 : vector<1x512x64xbf16> to vector<512x64xbf16>
    %max3A_19 = arith.maximumf %max3A, %get3A_18 : vector<512x64xbf16>
    %min3A_20 = arith.minimumf %min3A, %get3A_18 : vector<512x64xbf16>
    %get3A_21 = arith.constant 3 : index
    %get3A_22 = arith.constant 0 : index
    %get3A_23 = arith.constant 0 : index
    %get3A_24 = vector.load %arg2[%get3A_21, %get3A_22, %get3A_23] : memref<20x512x64xbf16, #tpu.memory_space<vmem>>, vector<1x512x64xbf16>
    %get3A_25 = vector.shape_cast %get3A_24 : vector<1x512x64xbf16> to vector<512x64xbf16>
    %max3A_26 = arith.maximumf %max3A_19, %get3A_25 : vector<512x64xbf16>
    %min3A_27 = arith.minimumf %min3A_20, %get3A_25 : vector<512x64xbf16>
    %get3A_28 = arith.constant 4 : index
    %get3A_29 = arith.constant 0 : index
    %get3A_30 = arith.constant 0 : index
    %get3A_31 = vector.load %arg2[%get3A_28, %get3A_29, %get3A_30] : memref<20x512x64xbf16, #tpu.memory_space<vmem>>, vector<1x512x64xbf16>
    %get3A_32 = vector.shape_cast %get3A_31 : vector<1x512x64xbf16> to vector<512x64xbf16>
    %max3A_33 = arith.maximumf %max3A_26, %get3A_32 : vector<512x64xbf16>
    %min3A_34 = arith.minimumf %min3A_27, %get3A_32 : vector<512x64xbf16>
    %get3A_35 = arith.constant 5 : index
    %get3A_36 = arith.constant 0 : index
    %get3A_37 = arith.constant 0 : index
    %get3A_38 = vector.load %arg2[%get3A_35, %get3A_36, %get3A_37] : memref<20x512x64xbf16, #tpu.memory_space<vmem>>, vector<1x512x64xbf16>
    %get3A_39 = vector.shape_cast %get3A_38 : vector<1x512x64xbf16> to vector<512x64xbf16>
    %max3A_40 = arith.maximumf %max3A_33, %get3A_39 : vector<512x64xbf16>
    %min3A_41 = arith.minimumf %min3A_34, %get3A_39 : vector<512x64xbf16>
    %get3A_42 = arith.constant 6 : index
    %get3A_43 = arith.constant 0 : index
    %get3A_44 = arith.constant 0 : index
    %get3A_45 = vector.load %arg2[%get3A_42, %get3A_43, %get3A_44] : memref<20x512x64xbf16, #tpu.memory_space<vmem>>, vector<1x512x64xbf16>
    %get3A_46 = vector.shape_cast %get3A_45 : vector<1x512x64xbf16> to vector<512x64xbf16>
    %max3A_47 = arith.maximumf %max3A_40, %get3A_46 : vector<512x64xbf16>
    %min3A_48 = arith.minimumf %min3A_41, %get3A_46 : vector<512x64xbf16>
    %get3A_49 = arith.constant 7 : index
    %get3A_50 = arith.constant 0 : index
    %get3A_51 = arith.constant 0 : index
    %get3A_52 = vector.load %arg2[%get3A_49, %get3A_50, %get3A_51] : memref<20x512x64xbf16, #tpu.memory_space<vmem>>, vector<1x512x64xbf16>
    %get3A_53 = vector.shape_cast %get3A_52 : vector<1x512x64xbf16> to vector<512x64xbf16>
    %max3A_54 = arith.maximumf %max3A_47, %get3A_53 : vector<512x64xbf16>
    %min3A_55 = arith.minimumf %min3A_48, %get3A_53 : vector<512x64xbf16>
    %get3A_56 = arith.constant 8 : index
    %get3A_57 = arith.constant 0 : index
    %get3A_58 = arith.constant 0 : index
    %get3A_59 = vector.load %arg2[%get3A_56, %get3A_57, %get3A_58] : memref<20x512x64xbf16, #tpu.memory_space<vmem>>, vector<1x512x64xbf16>
    %get3A_60 = vector.shape_cast %get3A_59 : vector<1x512x64xbf16> to vector<512x64xbf16>
    %max3A_61 = arith.maximumf %max3A_54, %get3A_60 : vector<512x64xbf16>
    %min3A_62 = arith.minimumf %min3A_55, %get3A_60 : vector<512x64xbf16>
    %get3A_63 = arith.constant 9 : index
    %get3A_64 = arith.constant 0 : index
    %get3A_65 = arith.constant 0 : index
    %get3A_66 = vector.load %arg2[%get3A_63, %get3A_64, %get3A_65] : memref<20x512x64xbf16, #tpu.memory_space<vmem>>, vector<1x512x64xbf16>
    %get3A_67 = vector.shape_cast %get3A_66 : vector<1x512x64xbf16> to vector<512x64xbf16>
    %max3A_68 = arith.maximumf %max3A_61, %get3A_67 : vector<512x64xbf16>
    %min3A_69 = arith.minimumf %min3A_62, %get3A_67 : vector<512x64xbf16>
    %get3A_70 = arith.constant 10 : index
    %get3A_71 = arith.constant 0 : index
    %get3A_72 = arith.constant 0 : index
    %get3A_73 = vector.load %arg2[%get3A_70, %get3A_71, %get3A_72] : memref<20x512x64xbf16, #tpu.memory_space<vmem>>, vector<1x512x64xbf16>
    %get3A_74 = vector.shape_cast %get3A_73 : vector<1x512x64xbf16> to vector<512x64xbf16>
    %max3A_75 = arith.maximumf %max3A_68, %get3A_74 : vector<512x64xbf16>
    %min3A_76 = arith.minimumf %min3A_69, %get3A_74 : vector<512x64xbf16>
    %get3A_77 = arith.constant 11 : index
    %get3A_78 = arith.constant 0 : index
    %get3A_79 = arith.constant 0 : index
    %get3A_80 = vector.load %arg2[%get3A_77, %get3A_78, %get3A_79] : memref<20x512x64xbf16, #tpu.memory_space<vmem>>, vector<1x512x64xbf16>
    %get3A_81 = vector.shape_cast %get3A_80 : vector<1x512x64xbf16> to vector<512x64xbf16>
    %max3A_82 = arith.maximumf %max3A_75, %get3A_81 : vector<512x64xbf16>
    %min3A_83 = arith.minimumf %min3A_76, %get3A_81 : vector<512x64xbf16>
    %get3A_84 = arith.constant 12 : index
    %get3A_85 = arith.constant 0 : index
    %get3A_86 = arith.constant 0 : index
    %get3A_87 = vector.load %arg2[%get3A_84, %get3A_85, %get3A_86] : memref<20x512x64xbf16, #tpu.memory_space<vmem>>, vector<1x512x64xbf16>
    %get3A_88 = vector.shape_cast %get3A_87 : vector<1x512x64xbf16> to vector<512x64xbf16>
    %max3A_89 = arith.maximumf %max3A_82, %get3A_88 : vector<512x64xbf16>
    %min3A_90 = arith.minimumf %min3A_83, %get3A_88 : vector<512x64xbf16>
    %get3A_91 = arith.constant 13 : index
    %get3A_92 = arith.constant 0 : index
    %get3A_93 = arith.constant 0 : index
    %get3A_94 = vector.load %arg2[%get3A_91, %get3A_92, %get3A_93] : memref<20x512x64xbf16, #tpu.memory_space<vmem>>, vector<1x512x64xbf16>
    %get3A_95 = vector.shape_cast %get3A_94 : vector<1x512x64xbf16> to vector<512x64xbf16>
    %max3A_96 = arith.maximumf %max3A_89, %get3A_95 : vector<512x64xbf16>
    %min3A_97 = arith.minimumf %min3A_90, %get3A_95 : vector<512x64xbf16>
    %get3A_98 = arith.constant 14 : index
    %get3A_99 = arith.constant 0 : index
    %get3A_100 = arith.constant 0 : index
    %get3A_101 = vector.load %arg2[%get3A_98, %get3A_99, %get3A_100] : memref<20x512x64xbf16, #tpu.memory_space<vmem>>, vector<1x512x64xbf16>
    %get3A_102 = vector.shape_cast %get3A_101 : vector<1x512x64xbf16> to vector<512x64xbf16>
    %max3A_103 = arith.maximumf %max3A_96, %get3A_102 : vector<512x64xbf16>
    %min3A_104 = arith.minimumf %min3A_97, %get3A_102 : vector<512x64xbf16>
    %get3A_105 = arith.constant 15 : index
    %get3A_106 = arith.constant 0 : index
    %get3A_107 = arith.constant 0 : index
    %get3A_108 = vector.load %arg2[%get3A_105, %get3A_106, %get3A_107] : memref<20x512x64xbf16, #tpu.memory_space<vmem>>, vector<1x512x64xbf16>
    %get3A_109 = vector.shape_cast %get3A_108 : vector<1x512x64xbf16> to vector<512x64xbf16>
    %max3A_110 = arith.maximumf %max3A_103, %get3A_109 : vector<512x64xbf16>
    %min3A_111 = arith.minimumf %min3A_104, %get3A_109 : vector<512x64xbf16>
    %get3A_112 = arith.constant 16 : index
    %get3A_113 = arith.constant 0 : index
    %get3A_114 = arith.constant 0 : index
    %get3A_115 = vector.load %arg2[%get3A_112, %get3A_113, %get3A_114] : memref<20x512x64xbf16, #tpu.memory_space<vmem>>, vector<1x512x64xbf16>
    %get3A_116 = vector.shape_cast %get3A_115 : vector<1x512x64xbf16> to vector<512x64xbf16>
    %max3A_117 = arith.maximumf %max3A_110, %get3A_116 : vector<512x64xbf16>
    %min3A_118 = arith.minimumf %min3A_111, %get3A_116 : vector<512x64xbf16>
    %get3A_119 = arith.constant 17 : index
    %get3A_120 = arith.constant 0 : index
    %get3A_121 = arith.constant 0 : index
    %get3A_122 = vector.load %arg2[%get3A_119, %get3A_120, %get3A_121] : memref<20x512x64xbf16, #tpu.memory_space<vmem>>, vector<1x512x64xbf16>
    %get3A_123 = vector.shape_cast %get3A_122 : vector<1x512x64xbf16> to vector<512x64xbf16>
    %max3A_124 = arith.maximumf %max3A_117, %get3A_123 : vector<512x64xbf16>
    %min3A_125 = arith.minimumf %min3A_118, %get3A_123 : vector<512x64xbf16>
    %get3A_126 = arith.constant 18 : index
    %get3A_127 = arith.constant 0 : index
    %get3A_128 = arith.constant 0 : index
    %get3A_129 = vector.load %arg2[%get3A_126, %get3A_127, %get3A_128] : memref<20x512x64xbf16, #tpu.memory_space<vmem>>, vector<1x512x64xbf16>
    %get3A_130 = vector.shape_cast %get3A_129 : vector<1x512x64xbf16> to vector<512x64xbf16>
    %max3A_131 = arith.maximumf %max3A_124, %get3A_130 : vector<512x64xbf16>
    %min3A_132 = arith.minimumf %min3A_125, %get3A_130 : vector<512x64xbf16>
    %get3A_133 = arith.constant 19 : index
    %get3A_134 = arith.constant 0 : index
    %get3A_135 = arith.constant 0 : index
    %get3A_136 = vector.load %arg2[%get3A_133, %get3A_134, %get3A_135] : memref<20x512x64xbf16, #tpu.memory_space<vmem>>, vector<1x512x64xbf16>
    %get3A_137 = vector.shape_cast %get3A_136 : vector<1x512x64xbf16> to vector<512x64xbf16>
    %max3A_138 = arith.maximumf %max3A_131, %get3A_137 : vector<512x64xbf16>
    %min3A_139 = arith.minimumf %min3A_132, %get3A_137 : vector<512x64xbf16>
    %convert_element_type3A = arith.extf %max3A_138 : vector<512x64xbf16> to vector<512x64xf32>
    %convert_element_type3A_140 = arith.extf %min3A_139 : vector<512x64xbf16> to vector<512x64xf32>
    %get3A_141 = arith.constant 0 : index
    %get3A_142 = arith.constant 0 : index
    %get3A_143 = vector.load %arg4[%get3A_141, %get3A_142] : memref<4x64xf32, #tpu.memory_space<vmem>>, vector<4x64xf32>
    %dot_general3A = arith.constant dense<0.000000e+00> : vector<512x64xf32>
    %dot_general3A_144 = tpu.matmul %get3A_3, %get3A_143, %dot_general3A {dimension_numbers = #tpu.dot_dimension_numbers<[1], [0], [0], [1], [0, 0, 1, 1], [], []>, precision = #tpu.contract_precision<fp32>, transpose_lhs_hint = false} : vector<512x4xf32>, vector<4x64xf32>, vector<512x64xf32> -> vector<512x64xf32>
    %get3A_145 = arith.constant 0 : index
    %get3A_146 = arith.constant 0 : index
    %get3A_147 = vector.load %arg5[%get3A_145, %get3A_146] : memref<1x64xf32, #tpu.memory_space<vmem>>, vector<1x64xf32>
    %add3A = arith.addf %convert_element_type3A, %dot_general3A_144 : vector<512x64xf32>
    %mul3A = vector.broadcast %get3A_147 : vector<1x64xf32> to vector<512x64xf32>
    %mul3A_148 = arith.mulf %mul3A, %add3A : vector<512x64xf32>
    %get3A_149 = arith.constant 0 : index
    %get3A_150 = arith.constant 0 : index
    %get3A_151 = vector.load %arg6[%get3A_149, %get3A_150] : memref<1x64xf32, #tpu.memory_space<vmem>>, vector<1x64xf32>
    %add3A_152 = vector.broadcast %get3A_151 : vector<1x64xf32> to vector<512x64xf32>
    %add3A_153 = arith.addf %mul3A_148, %add3A_152 : vector<512x64xf32>
    %add3A_154 = arith.addf %convert_element_type3A_140, %dot_general3A_144 : vector<512x64xf32>
    %mul3A_155 = vector.broadcast %get3A_147 : vector<1x64xf32> to vector<512x64xf32>
    %mul3A_156 = arith.mulf %mul3A_155, %add3A_154 : vector<512x64xf32>
    %get3A_157 = arith.constant 0 : index
    %get3A_158 = arith.constant 0 : index
    %get3A_159 = vector.load %arg6[%get3A_157, %get3A_158] : memref<1x64xf32, #tpu.memory_space<vmem>>, vector<1x64xf32>
    %add3A_160 = vector.broadcast %get3A_159 : vector<1x64xf32> to vector<512x64xf32>
    %add3A_161 = arith.addf %mul3A_156, %add3A_160 : vector<512x64xf32>
    %ge3A = arith.constant 0.000000e+00 : f32
    %ge3A_162 = vector.broadcast %ge3A : f32 to vector<1x64xf32>
    %ge3A_163 = arith.cmpf oge, %get3A_147, %ge3A_162 : vector<1x64xf32>
    %broadcast_in_dim3A = vector.shape_cast %ge3A_163 : vector<1x64xi1> to vector<1x64xi1>
    %broadcast_in_dim3A_164 = vector.broadcast %broadcast_in_dim3A : vector<1x64xi1> to vector<512x64xi1>
    %select_n3A = arith.select %broadcast_in_dim3A_164, %add3A_153, %add3A_161 : vector<512x64xi1>, vector<512x64xf32>
    %gt3A = arith.constant 0.000000e+00 : f32
    %gt3A_165 = vector.broadcast %gt3A : f32 to vector<512x64xf32>
    %gt3A_166 = arith.cmpf ogt, %select_n3A, %gt3A_165 : vector<512x64xf32>
    %mul3A_167 = arith.constant 2.000000e-01 : f32
    %mul3A_168 = vector.broadcast %mul3A_167 : f32 to vector<512x64xf32>
    %mul3A_169 = arith.mulf %mul3A_168, %select_n3A : vector<512x64xf32>
    %select_n3A_170 = arith.select %gt3A_166, %select_n3A, %mul3A_169 : vector<512x64xi1>, vector<512x64xf32>
    %get3A_171 = arith.constant 0 : index
    %get3A_172 = arith.constant 0 : index
    %get3A_173 = vector.load %arg8[%get3A_171, %get3A_172] : memref<1x128xf32, #tpu.memory_space<vmem>>, vector<1x128xf32>
    %get3A_174 = arith.constant 0 : index
    %get3A_175 = arith.constant 0 : index
    %get3A_176 = vector.load %arg7[%get3A_174, %get3A_175] : memref<64x128xf32, #tpu.memory_space<vmem>>, vector<64x128xf32>
    %dot_general3A_177 = arith.constant dense<0.000000e+00> : vector<512x128xf32>
    %dot_general3A_178 = tpu.matmul %select_n3A_170, %get3A_176, %dot_general3A_177 {dimension_numbers = #tpu.dot_dimension_numbers<[1], [0], [0], [1], [0, 0, 1, 1], [], []>, precision = #tpu.contract_precision<fp32>, transpose_lhs_hint = false} : vector<512x64xf32>, vector<64x128xf32>, vector<512x128xf32> -> vector<512x128xf32>
    %mul3A_179 = vector.broadcast %get3A_173 : vector<1x128xf32> to vector<512x128xf32>
    %mul3A_180 = arith.mulf %mul3A_179, %dot_general3A_178 : vector<512x128xf32>
    %get3A_181 = arith.constant 0 : index
    %get3A_182 = arith.constant 0 : index
    %get3A_183 = vector.load %arg9[%get3A_181, %get3A_182] : memref<1x128xf32, #tpu.memory_space<vmem>>, vector<1x128xf32>
    %add3A_184 = vector.broadcast %get3A_183 : vector<1x128xf32> to vector<512x128xf32>
    %add3A_185 = arith.addf %mul3A_180, %add3A_184 : vector<512x128xf32>
    %mul3A_186 = arith.constant 5.000000e-01 : f32
    %mul3A_187 = vector.broadcast %mul3A_186 : f32 to vector<512x128xf32>
    %mul3A_188 = arith.mulf %mul3A_187, %add3A_185 : vector<512x128xf32>
    %mul3A_189 = arith.constant 0.707106769 : f32
    %mul3A_190 = vector.broadcast %mul3A_189 : f32 to vector<512x128xf32>
    %mul3A_191 = arith.mulf %add3A_185, %mul3A_190 : vector<512x128xf32>
    %erf3A = math.erf %mul3A_191 : vector<512x128xf32>
    %add3A_192 = arith.constant 1.000000e+00 : f32
    %add3A_193 = vector.broadcast %add3A_192 : f32 to vector<512x128xf32>
    %add3A_194 = arith.addf %add3A_193, %erf3A : vector<512x128xf32>
    %mul3A_195 = arith.mulf %mul3A_188, %add3A_194 : vector<512x128xf32>
    %get3A_196 = arith.constant 0 : index
    %get3A_197 = arith.constant 0 : index
    %get3A_198 = vector.load %arg10[%get3A_196, %get3A_197] : memref<128x128xf32, #tpu.memory_space<vmem>>, vector<128x128xf32>
    %dot_general3A_199 = arith.constant dense<0.000000e+00> : vector<512x128xf32>
    %dot_general3A_200 = tpu.matmul %mul3A_195, %get3A_198, %dot_general3A_199 {dimension_numbers = #tpu.dot_dimension_numbers<[1], [0], [0], [1], [0, 0, 1, 1], [], []>, precision = #tpu.contract_precision<fp32>, transpose_lhs_hint = false} : vector<512x128xf32>, vector<128x128xf32>, vector<512x128xf32> -> vector<512x128xf32>
    %get3A_201 = arith.constant 0 : index
    %get3A_202 = arith.constant 0 : index
    %get3A_203 = vector.load %arg11[%get3A_201, %get3A_202] : memref<1x128xf32, #tpu.memory_space<vmem>>, vector<1x128xf32>
    %add3A_204 = vector.broadcast %get3A_203 : vector<1x128xf32> to vector<512x128xf32>
    %add3A_205 = arith.addf %dot_general3A_200, %add3A_204 : vector<512x128xf32>
    %mul3A_206 = arith.mulf %add3A_205, %add3A_205 : vector<512x128xf32>
    %get3A_207 = arith.constant 0 : index
    %get3A_208 = arith.constant 0 : index
    %get3A_209 = vector.load %arg12[%get3A_207, %get3A_208] : memref<128x32xf32, #tpu.memory_space<vmem>>, vector<128x32xf32>
    %dot_general3A_210 = arith.constant dense<0.000000e+00> : vector<512x32xf32>
    %dot_general3A_211 = tpu.matmul %mul3A_206, %get3A_209, %dot_general3A_210 {dimension_numbers = #tpu.dot_dimension_numbers<[1], [0], [0], [1], [0, 0, 1, 1], [], []>, precision = #tpu.contract_precision<fp32>, transpose_lhs_hint = false} : vector<512x128xf32>, vector<128x32xf32>, vector<512x32xf32> -> vector<512x32xf32>
    %reduce_max3A = arith.constant dense<0xFF800000> : vector<32xf32>
    %reduce_max3A_212 = vector.multi_reduction <maximumf>, %dot_general3A_211, %reduce_max3A [0] : vector<512x32xf32> to vector<32xf32>
    %broadcast_in_dim3A_213 = vector.shape_cast %reduce_max3A_212 : vector<32xf32> to vector<1x32xf32>
    %reduce_sum3A = arith.constant dense<0.000000e+00> : vector<32xf32>
    %reduce_sum3A_214 = vector.multi_reduction <add>, %dot_general3A_211, %reduce_sum3A [0] : vector<512x32xf32> to vector<32xf32>
    %broadcast_in_dim3A_215 = vector.shape_cast %reduce_sum3A_214 : vector<32xf32> to vector<1x32xf32>
    %eq3A = arith.constant 0 : i32
    %eq3A_216 = arith.cmpi eq, %arg1, %eq3A : i32
    %convert_element_type3A_217 = arith.extui %eq3A_216 : i1 to i32
    %cond3A = arith.constant 0 : i32
    %cond3A_218 = arith.cmpi ne, %convert_element_type3A_217, %cond3A : i32
    scf.if %cond3A_218 {
      %swap3A = arith.constant 0 : index
      %swap3A_229 = arith.constant 0 : index
      %swap3A_230 = vector.load %arg16[%swap3A, %swap3A_229] : memref<1x32xf32, #tpu.memory_space<vmem>>, vector<1x32xf32>
      tpu.vector_store %arg16[%swap3A, %swap3A_229], %broadcast_in_dim3A_213 {strides = array<i32>} : memref<1x32xf32, #tpu.memory_space<vmem>>, vector<1x32xf32>,
      %swap3A_231 = arith.constant 0 : index
      %swap3A_232 = arith.constant 0 : index
      %swap3A_233 = vector.load %arg17[%swap3A_231, %swap3A_232] : memref<1x32xf32, #tpu.memory_space<vmem>>, vector<1x32xf32>
      tpu.vector_store %arg17[%swap3A_231, %swap3A_232], %broadcast_in_dim3A_215 {strides = array<i32>} : memref<1x32xf32, #tpu.memory_space<vmem>>, vector<1x32xf32>,
    } else {
    }
    %gt3A_219 = arith.constant 0 : i32
    %gt3A_220 = arith.cmpi sgt, %arg1, %gt3A_219 : i32
    %convert_element_type3A_221 = arith.extui %gt3A_220 : i1 to i32
    %cond3A_222 = arith.constant 0 : i32
    %cond3A_223 = arith.cmpi ne, %convert_element_type3A_221, %cond3A_222 : i32
    scf.if %cond3A_223 {
      %get3A_229 = arith.constant 0 : index
      %get3A_230 = arith.constant 0 : index
      %get3A_231 = vector.load %arg16[%get3A_229, %get3A_230] : memref<1x32xf32, #tpu.memory_space<vmem>>, vector<1x32xf32>
      %max3A_232 = arith.maximumf %get3A_231, %broadcast_in_dim3A_213 : vector<1x32xf32>
      %swap3A = arith.constant 0 : index
      %swap3A_233 = arith.constant 0 : index
      %swap3A_234 = vector.load %arg16[%swap3A, %swap3A_233] : memref<1x32xf32, #tpu.memory_space<vmem>>, vector<1x32xf32>
      tpu.vector_store %arg16[%swap3A, %swap3A_233], %max3A_232 {strides = array<i32>} : memref<1x32xf32, #tpu.memory_space<vmem>>, vector<1x32xf32>,
      %get3A_235 = arith.constant 0 : index
      %get3A_236 = arith.constant 0 : index
      %get3A_237 = vector.load %arg17[%get3A_235, %get3A_236] : memref<1x32xf32, #tpu.memory_space<vmem>>, vector<1x32xf32>
      %add3A_238 = arith.addf %get3A_237, %broadcast_in_dim3A_215 : vector<1x32xf32>
      %swap3A_239 = arith.constant 0 : index
      %swap3A_240 = arith.constant 0 : index
      %swap3A_241 = vector.load %arg17[%swap3A_239, %swap3A_240] : memref<1x32xf32, #tpu.memory_space<vmem>>, vector<1x32xf32>
      tpu.vector_store %arg17[%swap3A_239, %swap3A_240], %add3A_238 {strides = array<i32>} : memref<1x32xf32, #tpu.memory_space<vmem>>, vector<1x32xf32>,
    } else {
    }
    %eq3A_224 = arith.constant 3 : i32
    %eq3A_225 = arith.cmpi eq, %arg1, %eq3A_224 : i32
    %convert_element_type3A_226 = arith.extui %eq3A_225 : i1 to i32
    %cond3A_227 = arith.constant 0 : i32
    %cond3A_228 = arith.cmpi ne, %convert_element_type3A_226, %cond3A_227 : i32
    scf.if %cond3A_228 {
      %get3A_229 = arith.constant 0 : index
      %get3A_230 = arith.constant 0 : index
      %get3A_231 = vector.load %arg16[%get3A_229, %get3A_230] : memref<1x32xf32, #tpu.memory_space<vmem>>, vector<1x32xf32>
      %get3A_232 = arith.constant 0 : index
      %get3A_233 = arith.constant 0 : index
      %get3A_234 = vector.load %arg17[%get3A_232, %get3A_233] : memref<1x32xf32, #tpu.memory_space<vmem>>, vector<1x32xf32>
      %mul3A_235 = arith.constant 4.8828125E-4 : f32
      %mul3A_236 = vector.broadcast %mul3A_235 : f32 to vector<1x32xf32>
      %mul3A_237 = arith.mulf %get3A_234, %mul3A_236 : vector<1x32xf32>
      %get3A_238 = arith.constant 0 : index
      %get3A_239 = arith.constant 0 : index
      %get3A_240 = vector.load %arg13[%get3A_238, %get3A_239] : memref<64x40xf32, #tpu.memory_space<vmem>>, vector<64x40xf32>
      %slice3A = vector.extract_strided_slice %get3A_240 {offsets = [0, 0], sizes = [32, 40], strides = [1, 1]} : vector<64x40xf32> to vector<32x40xf32>
      %dot_general3A_241 = arith.constant dense<0.000000e+00> : vector<1x40xf32>
      %dot_general3A_242 = tpu.matmul %get3A_231, %slice3A, %dot_general3A_241 {dimension_numbers = #tpu.dot_dimension_numbers<[1], [0], [0], [1], [0, 0, 1, 1], [], []>, precision = #tpu.contract_precision<fp32>, transpose_lhs_hint = false} : vector<1x32xf32>, vector<32x40xf32>, vector<1x40xf32> -> vector<1x40xf32>
      %slice3A_243 = vector.extract_strided_slice %get3A_240 {offsets = [32, 0], sizes = [32, 40], strides = [1, 1]} : vector<64x40xf32> to vector<32x40xf32>
      %dot_general3A_244 = arith.constant dense<0.000000e+00> : vector<1x40xf32>
      %dot_general3A_245 = tpu.matmul %mul3A_237, %slice3A_243, %dot_general3A_244 {dimension_numbers = #tpu.dot_dimension_numbers<[1], [0], [0], [1], [0, 0, 1, 1], [], []>, precision = #tpu.contract_precision<fp32>, transpose_lhs_hint = false} : vector<1x32xf32>, vector<32x40xf32>, vector<1x40xf32> -> vector<1x40xf32>
      %add3A_246 = arith.addf %dot_general3A_242, %dot_general3A_245 : vector<1x40xf32>
      %get3A_247 = arith.constant 0 : index
      %get3A_248 = arith.constant 0 : index
      %get3A_249 = vector.load %arg14[%get3A_247, %get3A_248] : memref<1x40xf32, #tpu.memory_space<vmem>>, vector<1x40xf32>
      %add3A_250 = arith.addf %add3A_246, %get3A_249 : vector<1x40xf32>
      %swap3A = arith.constant 0 : index
      %swap3A_251 = arith.constant 0 : index
      %swap3A_252 = arith.constant 0 : index
      %swap3A_253 = vector.load %arg15[%swap3A, %swap3A_251, %swap3A_252] : memref<1x1x40xf32, #tpu.memory_space<vmem>>, vector<1x1x40xf32>
      %swap3A_254 = vector.shape_cast %swap3A_253 : vector<1x1x40xf32> to vector<1x40xf32>
      %swap3A_255 = vector.shape_cast %add3A_250 : vector<1x40xf32> to vector<1x1x40xf32>
      tpu.vector_store %arg15[%swap3A, %swap3A_251, %swap3A_252], %swap3A_255 {strides = array<i32>} : memref<1x1x40xf32, #tpu.memory_space<vmem>>, vector<1x1x40xf32>,
    } else {
    }
    return
  }
  func.func @transform_0(%arg0: i32, %arg1: i32) -> (i32, i32, i32) {
    %mul3A = arith.constant 4 : i32
    %mul3A_0 = arith.muli %arg0, %mul3A : i32
    %add3A = arith.addi %mul3A_0, %arg1 : i32
    %c0_i32 = arith.constant 0 : i32
    %c0_i32_1 = arith.constant 0 : i32
    %c0_i32_2 = arith.constant 0 : i32
    return %c0_i32, %add3A, %c0_i32_1 : i32, i32, i32
  }
  func.func @transform_1(%arg0: i32, %arg1: i32) -> (i32, i32, i32) {
    %c0_i32 = arith.constant 0 : i32
    %c0_i32_0 = arith.constant 0 : i32
    return %arg0, %arg1, %c0_i32 : i32, i32, i32
  }
  func.func @transform_2(%arg0: i32, %arg1: i32) -> (i32, i32) {
    %c0_i32 = arith.constant 0 : i32
    %c0_i32_0 = arith.constant 0 : i32
    %c0_i32_1 = arith.constant 0 : i32
    return %c0_i32, %c0_i32_0 : i32, i32
  }
  func.func @transform_3(%arg0: i32, %arg1: i32) -> (i32, i32) {
    %c0_i32 = arith.constant 0 : i32
    %c0_i32_0 = arith.constant 0 : i32
    %c0_i32_1 = arith.constant 0 : i32
    return %c0_i32, %c0_i32_0 : i32, i32
  }
  func.func @transform_4(%arg0: i32, %arg1: i32) -> (i32, i32) {
    %c0_i32 = arith.constant 0 : i32
    %c0_i32_0 = arith.constant 0 : i32
    %c0_i32_1 = arith.constant 0 : i32
    return %c0_i32, %c0_i32_0 : i32, i32
  }
  func.func @transform_5(%arg0: i32, %arg1: i32) -> (i32, i32) {
    %c0_i32 = arith.constant 0 : i32
    %c0_i32_0 = arith.constant 0 : i32
    %c0_i32_1 = arith.constant 0 : i32
    return %c0_i32, %c0_i32_0 : i32, i32
  }
  func.func @transform_6(%arg0: i32, %arg1: i32) -> (i32, i32) {
    %c0_i32 = arith.constant 0 : i32
    %c0_i32_0 = arith.constant 0 : i32
    %c0_i32_1 = arith.constant 0 : i32
    return %c0_i32, %c0_i32_0 : i32, i32
  }
  func.func @transform_7(%arg0: i32, %arg1: i32) -> (i32, i32) {
    %c0_i32 = arith.constant 0 : i32
    %c0_i32_0 = arith.constant 0 : i32
    %c0_i32_1 = arith.constant 0 : i32
    return %c0_i32, %c0_i32_0 : i32, i32
  }
  func.func @transform_8(%arg0: i32, %arg1: i32) -> (i32, i32) {
    %c0_i32 = arith.constant 0 : i32
    %c0_i32_0 = arith.constant 0 : i32
    %c0_i32_1 = arith.constant 0 : i32
    return %c0_i32, %c0_i32_0 : i32, i32
  }
  func.func @transform_9(%arg0: i32, %arg1: i32) -> (i32, i32) {
    %c0_i32 = arith.constant 0 : i32
    %c0_i32_0 = arith.constant 0 : i32
    %c0_i32_1 = arith.constant 0 : i32
    return %c0_i32, %c0_i32_0 : i32, i32
  }
  func.func @transform_10(%arg0: i32, %arg1: i32) -> (i32, i32) {
    %c0_i32 = arith.constant 0 : i32
    %c0_i32_0 = arith.constant 0 : i32
    %c0_i32_1 = arith.constant 0 : i32
    return %c0_i32, %c0_i32_0 : i32, i32
  }
  func.func @transform_11(%arg0: i32, %arg1: i32) -> (i32, i32) {
    %c0_i32 = arith.constant 0 : i32
    %c0_i32_0 = arith.constant 0 : i32
    %c0_i32_1 = arith.constant 0 : i32
    return %c0_i32, %c0_i32_0 : i32, i32
  }
  func.func @transform_12(%arg0: i32, %arg1: i32) -> (i32, i32) {
    %c0_i32 = arith.constant 0 : i32
    %c0_i32_0 = arith.constant 0 : i32
    %c0_i32_1 = arith.constant 0 : i32
    return %c0_i32, %c0_i32_0 : i32, i32
  }
  func.func @transform_13(%arg0: i32, %arg1: i32) -> (i32, i32, i32) {
    %c0_i32 = arith.constant 0 : i32
    %c0_i32_0 = arith.constant 0 : i32
    %c0_i32_1 = arith.constant 0 : i32
    return %arg0, %c0_i32, %c0_i32_0 : i32, i32, i32
  }
}

</mosaic_0001>

<sc_bundles>
// kernel: kernel.11.cloned.1.call-start
scs
__scs_entry_jumppad:
0x0: {  	(pc) =	sbr.rel $0x88, $3  }
0x1: {  	(tag) =	ssettag $0x0;
	lr =	simm.s32 $0x1  }
0x2: {  	[smem:$0x3F93] =	sst lr;
	_ =	strace $0xD0000000  }
0x3: {  	_ = 	snop  }
0x4: {  	_ = 	snop  }
0x5: {  	_ = 	snop  }
0x6: {  	_ = 	snop  }
0x7: {  	_ = 	snop  }
__scs_overlays_trampoline_lowered:
0x8: {  	[smem:$0x3FA2] =	sst s0  }
0x9: {  	[smem:$0x3FA3] =	sst s1  }
0xa: {  	[smem:$0x3FA4] =	sst s2  }
0xb: {  	[smem:$0x3FA5] =	sst s3  }
0xc: {  	[smem:$0x3FA6] =	sst s4  }
0xd: {  	[smem:$0x3FA7] =	sst s5  }
0xe: {  	[smem:$0x3FA8] =	sst s6  }
0xf: {  	[smem:$0x3FA9] =	sst s7  }
0x10: {  	[smem:$0x3FAA] =	sst s8  }
0x11: {  	[smem:$0x3FAB] =	sst s9;
	s0 =	simm.s32 @!p0 $0x0  }
0x12: {  	s1 =	sld [smem:$0x3F91];
	s0 =	simm.s32 @p0 $0x1  }
0x13: {  	[smem:$0x3FAC] =	sst s0;
	s0 =	simm.s32 @!p1 $0x0  }
0x14: {  	s2 =	sld [smem:$0x3F90];
	s0 =	simm.s32 @p1 $0x1  }
0x15: {  	[smem:$0x3FAD] =	sst s0;
	s0 =	simm.s32 @!p2 $0x0  }
0x16: {  	s3 =	sld [smem:$0x3FDB];
	s0 =	simm.s32 @p2 $0x1  }
0x17: {  	s4 =	simm.s32 $0x1BF5;
	[smem:$0x3FAF] =	sst s0  }
0x18: {  	s0 =	sld [smem:$0x3F92];
	_ =	swait.ge [sflag:s4], $0x0  }
0x19: {  	s7 =	sld [smem:$0x3F93]  }
0x1a: {  	s8 =	sadd.s32 $0xFFFFE003, lr  }
0x1b: {  	s9 =	sadd.s32 $0xFFFFFEF7, lr;
	s5 =	simm.s32 $0xFFFFFFFF;
	p2 =	slt.u32 s8, $0xFFFFF086  }
0x1c: {  	p1 =	slt.u32 s9, $0xF7A;
	s5 =	simm.s32 @!p2 $0x0  }
0x1d: {  	s5 =	simm.s32 @p1 $0x1;
	p0 =	seq.s32 s7, s2  }
0x1e: {  	s7 =	smul.u32 @!p0 $0xF7A, s2;
	p2 =	seq.s32 @!p0 s5, $0x0  }
0x1f: {  	s9 =	smul.u32 $0xF7A, s1;
	s8 =	simm.s32 @!p0 $0x1BF5;
	p2 =	por !p2, p0  }
0x20: {  	[sflag:s8] =	ssyncset.s32 @!p0 $0xFFFFF086;
	s6 =	sadd.s32 @!p0 s3, s7;
	s7 =	simm.s32 @!p0 $0x108  }
0x21: {  	s3 =	sadd.s32 s3, s9;
	s6 =	sadd.s32 @!p0 $0x88, s6;
	s7 =	simm.s32 @p2 $0x1082  }
0x22: {  	[simem:s7], [sflag:s8] =	dma.local @!p0 [hbm:s6], $0xF7A  }
0x23: {  	s9 =	sor.u32 $0xD0000000, s2;
	s6 =	simm.s32 $0x108;
	_ =	swait.ge @!p0 [sflag:s8], $0x0  }
0x24: {  	s3 =	sadd.s32 $0x88, s3;
	s6 =	simm.s32 @!p1 $0x1082;
	[sflag:s4] =	ssyncset.s32 $0xFFFFF086  }
0x25: {  	[simem:s6], [sflag:s4] =	dma.local [hbm:s3], $0xF7A  }
0x26: {  	[smem:$0x3F93] =	sst s1;
	(tag) =	ssettag s2;
	_ =	strace s9  }
0x27: {  	s1 =	sld [smem:$0x3FA3]  }
0x28: {  	s2 =	sld [smem:$0x3FA4]  }
0x29: {  	s4 =	sld [smem:$0x3FA6]  }
0x2a: {  	p0 =	seq.s32 s5, $0x0;
	s5 =	sld [smem:$0x3FA7]  }
0x2b: {  	s6 =	sld [smem:$0x3FA8]  }
0x2c: {  	s7 =	sld [smem:$0x3FA9]  }
0x2d: {  	s3 =	simm.s32 $0x108;
	s8 =	sld [smem:$0x3FAA]  }
0x2e: {  	s3 =	simm.s32 @!p0 $0x1082;
	s9 =	sld [smem:$0x3FAB]  }
0x2f: {  	lr =	sadd.s32 s0, s3;
	s0 =	sld [smem:$0x3FA2]  }
0x30: {  	s3 =	sld [smem:$0x3FA5]  }
0x31: {  	[smem:$0x3FAE] =	sst s10  }
0x32: {  	s10 =	sld [smem:$0x3FAC];
	_ =	sdelay $0x3  }
0x33: {  	p0 =	seq.s32 s10, $0x1;
	s10 =	sld [smem:$0x3FAE];
	_ =	sdelay $0x3  }
0x34: {  	[smem:$0x3FAE] =	sst s10  }
0x35: {  	s10 =	sld [smem:$0x3FAD];
	_ =	sdelay $0x3  }
0x36: {  	p1 =	seq.s32 s10, $0x1;
	s10 =	sld [smem:$0x3FAE];
	_ =	sdelay $0x3  }
0x37: {  	[smem:$0x3FAE] =	sst s10  }
0x38: {  	s10 =	sld [smem:$0x3FAF]  }
0x39: {  	_ = 	snop;
	(pc) =	sbr.ind lr, $3  }
0x3a: {  	_ = 	snop  }
0x3b: {  	_ = 	snop  }
0x3c: {  	p2 =	seq.s32 s10, $0x1;
	s10 =	sld [smem:$0x3FAE]  }
0x3d: {  	_ =	shalt  }
0x3e: {  	_ =	shalt  }
0x3f: {  	_ =	shalt  }
0x40: {  	_ =	shalt  }
0x41: {  	_ =	shalt  }
0x42: {  	_ =	shalt  }
0x43: {  	_ =	shalt  }
0x44: {  	_ =	shalt  }
0x45: {  	_ =	shalt  }
0x46: {  	_ =	shalt  }
0x47: {  	_ =	shalt  }
0x48: {  	_ =	shalt  }
0x49: {  	_ =	shalt  }
0x4a: {  	_ =	shalt  }
0x4b: {  	_ =	shalt  }
0x4c: {  	_ =	shalt  }
0x4d: {  	_ =	shalt  }
0x4e: {  	_ =	shalt  }
0x4f: {  	_ =	shalt  }
0x50: {  	_ =	shalt  }
0x51: {  	_ =	shalt  }
0x52: {  	_ =	shalt  }
0x53: {  	_ =	shalt  }
0x54: {  	_ =	shalt  }
0x55: {  	_ =	shalt  }
0x56: {  	_ =	shalt  }
0x57: {  	_ =	shalt  }
0x58: {  	_ =	shalt  }
0x59: {  	_ =	shalt  }
0x5a: {  	_ =	shalt  }
0x5b: {  	_ =	shalt  }
0x5c: {  	_ =	shalt  }
0x5d: {  	_ =	shalt  }
0x5e: {  	_ =	shalt  }
0x5f: {  	_ =	shalt  }
0x60: {  	_ =	shalt  }
0x61: {  	_ =	shalt  }
0x62: {  	_ =	shalt  }
0x63: {  	_ =	shalt  }
0x64: {  	_ =	shalt  }
0x65: {  	_ =	shalt  }
0x66: {  	_ =	shalt  }
0x67: {  	_ =	shalt  }
0x68: {  	_ =	shalt  }
0x69: {  	_ =	shalt  }
0x6a: {  	_ =	shalt  }
0x6b: {  	_ =	shalt  }
0x6c: {  	_ =	shalt  }
0x6d: {  	_ =	shalt  }
0x6e: {  	_ =	shalt  }
0x6f: {  	_ =	shalt  }
0x70: {  	_ =	shalt  }
0x71: {  	_ =	shalt  }
0x72: {  	_ =	shalt  }
0x73: {  	_ =	shalt  }
0x74: {  	_ =	shalt  }
0x75: {  	_ =	shalt  }
0x76: {  	_ =	shalt  }
0x77: {  	_ =	shalt  }
0x78: {  	_ =	shalt  }
0x79: {  	_ =	shalt  }
0x7a: {  	_ =	shalt  }
0x7b: {  	_ =	shalt  }
0x7c: {  	_ =	shalt  }
0x7d: {  	_ =	shalt  }
0x7e: {  	_ =	shalt  }
0x7f: {  	_ =	shalt  }
0x80: {  	_ =	shalt  }
0x81: {  	_ =	shalt  }
0x82: {  	_ =	shalt  }
0x83: {  	_ =	shalt  }
0x84: {  	_ =	shalt  }
0x85: {  	_ =	shalt  }
0x86: {  	_ =	shalt  }
0x87: {  	_ =	shalt  }
.Lfunc_end0:
.L_simem_size_0:
called_computation.1_lowered:
.L_overlay_start_0:
0x88: {  	s2 =	sld [smem:$0x3FD9]  }
0x89: {  	s3 =	sld [smem:$0x3FFE];
	_ =	sdelay $0x1  }
0x8a: {  	s1 =	srdreg.scid  }
0x8b: {  	s0 =	sand.u32 $0x1, s1  }
0x8c: {  	s17 =	sshll.u32 s0, $0xA;
	s2 =	sadd.s32 s3, s2  }
0x8d: {  	s2 =	sadd.s32 s2, s17  }
0x8e: {  	[smem:$0x3FBA] =	sst s2  }
0x8f: {  	_ = 	snop  }
0x90: {  	(tm) =	ssettm $0x1  }
0x91: {  	s18 =	sld [smem:$0x3FFB];
	_ =	sdelay $0x3  }
0x92: {  	_ =	strace s18  }
0x93: {  	s2 =	sld [smem:$0x3FFC];
	_ =	sdelay $0x3  }
0x94: {  	_ =	strace s2  }
0x95: {  	s2 =	sld [smem:$0x3FFD];
	_ =	sdelay $0x3  }
0x96: {  	_ =	strace s2  }
0x97: {  	_ =	strace $0x8FFFFFFF  }
0x98: {  	s19 =	sld [smem:$0x3FDB];
	_ =	sdelay $0x1  }
0x99: {  	s20 =	simm.s32 $_scs_section_size  }
0x9a: {  	s4 =	simm.s32 $_size__tile_overlayer_lowered;
	s5 =	simm.s32 $_tile_overlayer_lowered  }
0x9b: {  	s6 =	simm.s32 $0x1BFF;
	s21 =	sshll.u32 s5, $0x1;
	s3 =	sadd.s32 s20, s19  }
0x9c: {  	s22 =	simm.s32 $0x0;
	s4 =	sshll.u32 s4, $0x1;
	s5 =	sadd.s32 s21, s3  }
0x9d: {  	[timem:s22], [sflag:s6] =	dma.local [hbm:s5], s4  }
0x9e: {  	_ =	swait.ge [sflag:s6], s4  }
0x9f: {  	s4 =	ssub.s32 $0x0, s4;
	[sflag:s6] =	ssyncset.done $0x0  }
0xa0: {  	[sflag:s6] =	ssyncadd.s32 s4;
	_ =	sdelay $0x1  }
0xa1: {  	s23 =	simm.s32 $0x1B8B  }
0xa2: {  	_ =	swait.ge [sflag:s23], $0x1  }
0xa3: {  	[sflag:s23] =	ssyncset.done $0x0  }
0xa4: {  	[sflag:s23] =	ssyncadd.s32 $0xFFFFFFFF  }
0xa5: {  	s4 =	sld [smem:$0x0]  }
0xa6: {  	s5 =	sand.u32 $0xFFFFFFFE, s1  }
0xa7: {  	p0 =	sne.s32 s1, s5  }
0xa8: {  	s5 =	sshll.u32 @p0 s5, $0xE  }
0xa9: {  	s5 =	sadd.s32 @p0 $0x11B8D, s5;
	s6 =	sshll.u32 @p0 s4, $0x11  }
0xaa: {  	s5 =	sor.u32 @p0 s6, s5  }
0xab: {  	[sflag:s5] =	ssyncadd.remote.s32 @p0 $0x1;
	_ =	sdelay $0x1  }
0xac: {  	s5 =	simm.s32 @p0 $0x1B8D  }
0xad: {  	_ =	swait.eq @p0 [sflag:s5], $0x1  }
0xae: {  	[sflag:s5] =	ssyncadd.s32 @p0 $0xFFFFFFFF  }
0xaf: {  	s6 =	sshll.u32 @!p0 s1, $0xE  }
0xb0: {  	s6 =	sor.u32 @!p0 $0x4000, s6;
	s5 =	simm.s32 @!p0 $0x1B8D  }
0xb1: {  	s4 =	sshll.u32 @!p0 s4, $0x11;
	s6 =	sadd.s32 @!p0 $0x11B8D, s6;
	_ =	swait.eq @!p0 [sflag:s5], $0x1  }
0xb2: {  	s4 =	sor.u32 @!p0 s4, s6;
	[sflag:s5] =	ssyncadd.s32 @!p0 $0xFFFFFFFF  }
0xb3: {  	s25 =	simm.s32 $0x1B8E;
	s24 =	sld [smem:$0x3FFE];
	[sflag:s4] =	ssyncadd.remote.s32 @!p0 $0x1  }
0xb4: {  	s26 =	simm.s32 $execute0_lowered;
	[smem:$0x3FD2] =	sst s25  }
0xb5: {  	s5 =	sshll.u32 s26, $0x1;
	_ =	strace $0x80000049;
	[dreg:$0x1] =	wrdreg $0xFFFFFFFF  }
0xb6: {  	s28 =	simm.s32 $_size_execute0_lowered;
	s3 =	sadd.s32 s3, s5;
	[dreg:$0x0] =	wrdreg $0x0  }
0xb7: {  	s5 =	sshll.u32 s28, $0x1;
	[dreg:$0x2] =	wrdreg s3  }
0xb8: {  	[dreg:$0x3] =	wrdreg s5  }
0xb9: {  	[dreg:$0x4] =	wrdreg $0xC0  }
0xba: {  	_ =	task [dreg:s22], $0x5FFFF  }
0xbb: {  	[dreg:$0x1] =	wrdreg $0xFFFFFFFF  }
0xbc: {  	[dreg:$0x0] =	wrdreg $0x60  }
0xbd: {  	[dreg:$0x2] =	wrdreg s24  }
0xbe: {  	[dreg:$0x3] =	wrdreg $0xA  }
0xbf: {  	_ =	task.clear_ibuf [dreg:s22], $0x4FFFF;
	_ =	strace $0x90000049  }
0xc0: {  	s29 =	simm.s32 $0xA;
	_ =	strace $0x8000004B  }
0xc1: {  	_ =	swait.ge [sflag:s29], $0x1  }
0xc2: {  	[sflag:s29] =	ssyncadd.s32 $0xFFFFFFFF  }
0xc3: {  	_ =	strace $0x9000004B  }
0xc4: {  	_ =	sfence  }
0xc5: {  	s30 =	sld [smem:$0x0];
	_ =	sdelay $0x2  }
0xc6: {  	s31 =	sshll.u32 s1, $0xD;
	s1 =	sshrl.u32 s1, $0x2  }
0xc7: {  	s4 =	sand.u32 $0x4000, s31;
	s1 =	sadd.s32 s1, s30  }
0xc8: {  	s0 =	sor.u32 s4, s0;
	s1 =	sshll.u32 s1, $0x11  }
0xc9: {  	s0 =	sor.u32 s1, s0  }
0xca: {  	s0 =	sadd.s32 $0x8F2B, s0  }
0xcb: {  	[sflag:s0] =	ssyncadd.remote.s32 $0x1  }
0xcc: {  	_ =	sfence.sel $0xFFFF  }
0xcd: {  	[dreg:$0x0] =	wrdreg $0xFFFFFFFF;
	(pc) =	sbr.abs _section_cstart, $3  }
0xce: {  	[dreg:$0x1] =	wrdreg $0xFFFFFFFF  }
0xcf: {  	_ =	task.clear_ibuf [dreg:s22], $0x2FFFF;
	_ =	strace $0x9FFFFFFF  }
0xd0: {  	(tm) =	ssettm $0x7FFFFFFF  }
0xd1: {  	_ =	shalt  }
tec
execute0_lowered:
.L_overlay_start_1:
0x0: {  	(tag) =	ssettag $0x1  }
0x1: {  	s1 =	srdreg.scid;
	s0 =	stileid.u32  }
0x2: {  	s16 =	sand.u32 $0x1, s1;
	s26 =	sshll.u32 s0, $0x1  }
0x3: {  	s8 =	sor.u32 s16, s26  }
0x4: {  	s9 =	rddreg [dreg:$0x0];
	s17 =	smul.u32 $0x2800, s8  }
0x5: {  	s2 =	simm.s32 $0x0;
	s1 =	rddreg [dreg:$0x1]  }
0x6: {  	[smem:$0x7FF] =	sst s2;
	s15 =	sadd.s32 $0x45C00, s9;
	s3 =	sshrl.u32 s17, $0x3  }
0x7: {  	_ =	strace $0x8000004A;
	s4 =	sadd.s32 s15, s3;
	s3 =	simm.s32 $0x2  }
0x8: {  	[tilespmem:s2], [sflag:$0x2] =	stream.linear.gather [hbm4b:s4+s2], $0x800, $0x38;
	[tilespmem:$0x10800] =	vst v63  }
0x9: {  	_ =	swait.ge [sflag:s3], $0x800  }
0xa: {  	s6 =	simm.s32 $0x800;
	[sflag:s3] =	ssyncset.done $0x0  }
0xb: {  	s7 =	simm.s32 $0x1;
	s5 =	sadd.s32 $0x4FC00, s9;
	[sflag:s3] =	ssyncadd.s32 $0xFFFFF800  }
0xc: {  	[tilespmem:s6], [sflag:$0x1] =	stream.indirect.gather [hbm4b:s5+s6], $0x20, s2, s6, $0xb8;
	[tilespmem:$0x10800] =	vst v63  }
0xd: {  	s8 =	smul.u32 $0xA000, s8;
	_ =	swait.ge [sflag:s7], $0x10000  }
0xe: {  	s18 =	sadd.s32 $0x285C00, s9;
	[sflag:s7] =	ssyncset.done $0x0  }
0xf: {  	s8 =	sadd.s32 s18, s8;
	[sflag:s7] =	ssyncadd.s32 $0xFFFF0000  }
0x10: {  	[hbm4b:s8+s2] =	stream.linear.scatter [tilespmem:s6], [sflag:$0x2], $0x10000, $0x38;
	[tilespmem:$0x10800] =	vst v63  }
0x11: {  	s10 =	sadd.s32 $0x800, s17;
	_ =	swait.ge [sflag:s3], $0x10000  }
0x12: {  	s28 =	sshrl.u32 s10, $0x3;
	[sflag:s3] =	ssyncset.done $0x0  }
0x13: {  	s9 =	sadd.s32 s15, s28;
	[sflag:s3] =	ssyncadd.s32 $0xFFFF0000  }
0x14: {  	[tilespmem:s2], [sflag:$0x2] =	stream.linear.gather [hbm4b:s9+s2], $0x800, $0x38;
	[tilespmem:$0x10800] =	vst v63  }
0x15: {  	_ =	swait.ge [sflag:s3], $0x800  }
0x16: {  	[sflag:s3] =	ssyncset.done $0x0  }
0x17: {  	[sflag:s3] =	ssyncadd.s32 $0xFFFFF800  }
0x18: {  	[tilespmem:s6], [sflag:$0x1] =	stream.indirect.gather [hbm4b:s5+s6], $0x20, s2, s6, $0xb8;
	[tilespmem:$0x10800] =	vst v63  }
0x19: {  	_ =	swait.ge [sflag:s7], $0x10000  }
0x1a: {  	s10 =	sshll.u32 s10, $0x2;
	[sflag:s7] =	ssyncset.done $0x0  }
0x1b: {  	s10 =	sadd.s32 s18, s10;
	[sflag:s7] =	ssyncadd.s32 $0xFFFF0000  }
0x1c: {  	[hbm4b:s10+s2] =	stream.linear.scatter [tilespmem:s6], [sflag:$0x2], $0x10000, $0x38;
	[tilespmem:$0x10800] =	vst v63  }
0x1d: {  	s12 =	sadd.s32 $0x1000, s17;
	_ =	swait.ge [sflag:s3], $0x10000  }
0x1e: {  	s11 =	sshrl.u32 s12, $0x3;
	[sflag:s3] =	ssyncset.done $0x0  }
0x1f: {  	s11 =	sadd.s32 s15, s11;
	[sflag:s3] =	ssyncadd.s32 $0xFFFF0000  }
0x20: {  	[tilespmem:s2], [sflag:$0x2] =	stream.linear.gather [hbm4b:s11+s2], $0x800, $0x38;
	[tilespmem:$0x10800] =	vst v63  }
0x21: {  	_ =	swait.ge [sflag:s3], $0x800  }
0x22: {  	[sflag:s3] =	ssyncset.done $0x0  }
0x23: {  	[sflag:s3] =	ssyncadd.s32 $0xFFFFF800  }
0x24: {  	[tilespmem:s6], [sflag:$0x1] =	stream.indirect.gather [hbm4b:s5+s6], $0x20, s2, s6, $0xb8;
	[tilespmem:$0x10800] =	vst v63  }
0x25: {  	_ =	swait.ge [sflag:s7], $0x10000  }
0x26: {  	s12 =	sshll.u32 s12, $0x2;
	[sflag:s7] =	ssyncset.done $0x0  }
0x27: {  	s12 =	sadd.s32 s18, s12;
	[sflag:s7] =	ssyncadd.s32 $0xFFFF0000  }
0x28: {  	[hbm4b:s12+s2] =	stream.linear.scatter [tilespmem:s6], [sflag:$0x2], $0x10000, $0x38;
	[tilespmem:$0x10800] =	vst v63  }
0x29: {  	s14 =	sadd.s32 $0x1800, s17;
	_ =	swait.ge [sflag:s3], $0x10000  }
0x2a: {  	s13 =	sshrl.u32 s14, $0x3;
	[sflag:s3] =	ssyncset.done $0x0  }
0x2b: {  	s13 =	sadd.s32 s15, s13;
	[sflag:s3] =	ssyncadd.s32 $0xFFFF0000  }
0x2c: {  	[tilespmem:s2], [sflag:$0x2] =	stream.linear.gather [hbm4b:s13+s2], $0x800, $0x38;
	[tilespmem:$0x10800] =	vst v63  }
0x2d: {  	_ =	swait.ge [sflag:s3], $0x800  }
0x2e: {  	[sflag:s3] =	ssyncset.done $0x0  }
0x2f: {  	[sflag:s3] =	ssyncadd.s32 $0xFFFFF800  }
0x30: {  	[tilespmem:s6], [sflag:$0x1] =	stream.indirect.gather [hbm4b:s5+s6], $0x20, s2, s6, $0xb8;
	[tilespmem:$0x10800] =	vst v63  }
0x31: {  	_ =	swait.ge [sflag:s7], $0x10000  }
0x32: {  	s14 =	sshll.u32 s14, $0x2;
	[sflag:s7] =	ssyncset.done $0x0  }
0x33: {  	s14 =	sadd.s32 s18, s14;
	[sflag:s7] =	ssyncadd.s32 $0xFFFF0000  }
0x34: {  	[hbm4b:s14+s2] =	stream.linear.scatter [tilespmem:s6], [sflag:$0x2], $0x10000, $0x38;
	[tilespmem:$0x10800] =	vst v63  }
0x35: {  	s17 =	sadd.s32 $0x2000, s17;
	_ =	swait.ge [sflag:s3], $0x10000  }
0x36: {  	s19 =	sshrl.u32 s17, $0x3;
	[sflag:s3] =	ssyncset.done $0x0  }
0x37: {  	s16 =	ssub.s32 $0x2, s16;
	s15 =	sadd.s32 s15, s19;
	[sflag:s3] =	ssyncadd.s32 $0xFFFF0000  }
0x38: {  	[tilespmem:s2], [sflag:$0x2] =	stream.linear.gather [hbm4b:s15+s2], $0x800, $0x38;
	[tilespmem:$0x10800] =	vst v63  }
0x39: {  	s29 =	sshrl.u32 s16, $0x1;
	_ =	swait.ge [sflag:s3], $0x800  }
0x3a: {  	s19 =	ssub.s32 s16, s29;
	[sflag:s3] =	ssyncset.done $0x0  }
0x3b: {  	s31 =	smax.u32 s19, $0x1;
	[sflag:s3] =	ssyncadd.s32 $0xFFFFF800  }
0x3c: {  	[tilespmem:s6], [sflag:$0x1] =	stream.indirect.gather [hbm4b:s5+s6], $0x20, s2, s6, $0xb8;
	[tilespmem:$0x10800] =	vst v63  }
0x3d: {  	p0 =	sne.s32 s31, $0x1;
	_ =	swait.ge [sflag:s7], $0x10000  }
.Ltmp0:
0x3e: {  	s30 =	sshll.u32 s17, $0x2;
	[sflag:s7] =	ssyncset.done $0x0;
	(pc) =	sbr.rel @!p0 .LBB2_2-.Ltmp0, $4  }
0x3f: {  	s16 =	sadd.s32 s18, s30;
	[sflag:s7] =	ssyncadd.s32 $0xFFFF0000  }
0x40: {  	[hbm4b:s16+s2] =	stream.linear.scatter [tilespmem:s6], [sflag:$0x2], $0x10000, $0x38;
	[tilespmem:$0x10800] =	vst v63  }
0x41: {  	_ =	swait.ge [sflag:s3], $0x10000  }
0x42: {  	s17 =	sadd.s32 $0xFFFFFFFF, s31;
	[sflag:s3] =	ssyncset.done $0x0  }
.LBB2_1:
0x43: {  	p0 =	sne.s32 s17, $0x1;
	s17 =	sadd.s32 $0xFFFFFFFF, s17;
	[sflag:s3] =	ssyncadd.s32 $0xFFFF0000  }
0x44: {  	[tilespmem:s2], [sflag:$0x2] =	stream.linear.gather [hbm4b:s4+s2], $0x800, $0x38;
	[tilespmem:$0x10800] =	vst v63  }
0x45: {  	_ =	swait.ge [sflag:s3], $0x800  }
0x46: {  	[sflag:s3] =	ssyncset.done $0x0  }
0x47: {  	[sflag:s3] =	ssyncadd.s32 $0xFFFFF800  }
0x48: {  	[tilespmem:s6], [sflag:$0x1] =	stream.indirect.gather [hbm4b:s5+s6], $0x20, s2, s6, $0xb8;
	[tilespmem:$0x10800] =	vst v63  }
0x49: {  	_ =	swait.ge [sflag:s7], $0x10000  }
0x4a: {  	[sflag:s7] =	ssyncset.done $0x0  }
0x4b: {  	[sflag:s7] =	ssyncadd.s32 $0xFFFF0000  }
0x4c: {  	[hbm4b:s8+s2] =	stream.linear.scatter [tilespmem:s6], [sflag:$0x2], $0x10000, $0x38;
	[tilespmem:$0x10800] =	vst v63  }
0x4d: {  	_ =	swait.ge [sflag:s3], $0x10000  }
0x4e: {  	[sflag:s3] =	ssyncset.done $0x0  }
0x4f: {  	[sflag:s3] =	ssyncadd.s32 $0xFFFF0000  }
0x50: {  	[tilespmem:s2], [sflag:$0x2] =	stream.linear.gather [hbm4b:s9+s2], $0x800, $0x38;
	[tilespmem:$0x10800] =	vst v63  }
0x51: {  	_ =	swait.ge [sflag:s3], $0x800  }
0x52: {  	[sflag:s3] =	ssyncset.done $0x0  }
0x53: {  	[sflag:s3] =	ssyncadd.s32 $0xFFFFF800  }
0x54: {  	[tilespmem:s6], [sflag:$0x1] =	stream.indirect.gather [hbm4b:s5+s6], $0x20, s2, s6, $0xb8;
	[tilespmem:$0x10800] =	vst v63  }
0x55: {  	_ =	swait.ge [sflag:s7], $0x10000  }
0x56: {  	[sflag:s7] =	ssyncset.done $0x0  }
0x57: {  	[sflag:s7] =	ssyncadd.s32 $0xFFFF0000  }
0x58: {  	[hbm4b:s10+s2] =	stream.linear.scatter [tilespmem:s6], [sflag:$0x2], $0x10000, $0x38;
	[tilespmem:$0x10800] =	vst v63  }
0x59: {  	_ =	swait.ge [sflag:s3], $0x10000  }
0x5a: {  	[sflag:s3] =	ssyncset.done $0x0  }
0x5b: {  	[sflag:s3] =	ssyncadd.s32 $0xFFFF0000  }
0x5c: {  	[tilespmem:s2], [sflag:$0x2] =	stream.linear.gather [hbm4b:s11+s2], $0x800, $0x38;
	[tilespmem:$0x10800] =	vst v63  }
0x5d: {  	_ =	swait.ge [sflag:s3], $0x800  }
0x5e: {  	[sflag:s3] =	ssyncset.done $0x0  }
0x5f: {  	[sflag:s3] =	ssyncadd.s32 $0xFFFFF800  }
0x60: {  	[tilespmem:s6], [sflag:$0x1] =	stream.indirect.gather [hbm4b:s5+s6], $0x20, s2, s6, $0xb8;
	[tilespmem:$0x10800] =	vst v63  }
0x61: {  	_ =	swait.ge [sflag:s7], $0x10000  }
0x62: {  	[sflag:s7] =	ssyncset.done $0x0  }
0x63: {  	[sflag:s7] =	ssyncadd.s32 $0xFFFF0000  }
0x64: {  	[hbm4b:s12+s2] =	stream.linear.scatter [tilespmem:s6], [sflag:$0x2], $0x10000, $0x38;
	[tilespmem:$0x10800] =	vst v63  }
0x65: {  	_ =	swait.ge [sflag:s3], $0x10000  }
0x66: {  	[sflag:s3] =	ssyncset.done $0x0  }
0x67: {  	[sflag:s3] =	ssyncadd.s32 $0xFFFF0000  }
0x68: {  	[tilespmem:s2], [sflag:$0x2] =	stream.linear.gather [hbm4b:s13+s2], $0x800, $0x38;
	[tilespmem:$0x10800] =	vst v63  }
0x69: {  	_ =	swait.ge [sflag:s3], $0x800  }
0x6a: {  	[sflag:s3] =	ssyncset.done $0x0  }
0x6b: {  	[sflag:s3] =	ssyncadd.s32 $0xFFFFF800  }
0x6c: {  	[tilespmem:s6], [sflag:$0x1] =	stream.indirect.gather [hbm4b:s5+s6], $0x20, s2, s6, $0xb8;
	[tilespmem:$0x10800] =	vst v63  }
0x6d: {  	_ =	swait.ge [sflag:s7], $0x10000  }
0x6e: {  	[sflag:s7] =	ssyncset.done $0x0  }
0x6f: {  	[sflag:s7] =	ssyncadd.s32 $0xFFFF0000  }
0x70: {  	[hbm4b:s14+s2] =	stream.linear.scatter [tilespmem:s6], [sflag:$0x2], $0x10000, $0x38;
	[tilespmem:$0x10800] =	vst v63  }
0x71: {  	_ =	swait.ge [sflag:s3], $0x10000  }
0x72: {  	[sflag:s3] =	ssyncset.done $0x0  }
0x73: {  	[sflag:s3] =	ssyncadd.s32 $0xFFFF0000  }
0x74: {  	[tilespmem:s2], [sflag:$0x2] =	stream.linear.gather [hbm4b:s15+s2], $0x800, $0x38;
	[tilespmem:$0x10800] =	vst v63  }
0x75: {  	_ =	swait.ge [sflag:s3], $0x800  }
0x76: {  	[sflag:s3] =	ssyncset.done $0x0  }
0x77: {  	[sflag:s3] =	ssyncadd.s32 $0xFFFFF800  }
0x78: {  	[tilespmem:s6], [sflag:$0x1] =	stream.indirect.gather [hbm4b:s5+s6], $0x20, s2, s6, $0xb8;
	[tilespmem:$0x10800] =	vst v63  }
0x79: {  	_ =	swait.ge [sflag:s7], $0x10000  }
.Ltmp1:
0x7a: {  	[sflag:s7] =	ssyncset.done $0x0;
	(pc) =	sbr.rel @p0 .LBB2_1-.Ltmp1, $4  }
0x7b: {  	[sflag:s7] =	ssyncadd.s32 $0xFFFF0000  }
0x7c: {  	[hbm4b:s16+s2] =	stream.linear.scatter [tilespmem:s6], [sflag:$0x2], $0x10000, $0x38;
	[tilespmem:$0x10800] =	vst v63  }
0x7d: {  	_ =	swait.ge [sflag:s3], $0x10000  }
0x7e: {  	[sflag:s3] =	ssyncset.done $0x0  }
.LBB2_2:
0x7f: {  	[sflag:s3] =	ssyncadd.s32 $0xFFFF0000  }
0x80: {  	_ =	sfence.sel $0x180000  }
0x81: {  	[bflag:$0x0] =	sbarrier.arrive $0xFFFF  }
0x82: {  	p0 =	sne.s32 s0, $0x0;
	_ =	strace $0x9000004A  }
0x83: {  	s0 =	sadd.s32 @!p0 $0x100000, s1;
	[bflag:$0x2] =	sbarrier.arrive $0xFFFF  }
0x84: {  	[sflag:s0] =	ssyncadd.tile.s32 @!p0 $0x1;
	_ =	shalt  }
.Lfunc_end2:
_tile_overlayer_lowered:
.L_overlay_start_2:
0x85: {  	(tag) =	ssettag $0x2  }
0x86: {  	s0 =	rddreg [dreg:$0x0];
	s2 =	stileid.u32  }
0x87: {  	s1 =	rddreg [dreg:$0x1];
	p0 =	sne.s32 s2, $0x0  }
0x88: {  	s3 =	rddreg [dreg:$0x2];
	[bflag:$0x3] =	sbarrier.arrive $0xFFFF;
	s2 =	simm.s32 @!p0 $0x1C02  }
0x89: {  	[timem:s3], [sflag:s2] =	dma.local @!p0 [hbm:s0], s1  }
0x8a: {  	s0 =	simm.s32 @!p0 $0x2  }
0x8b: {  	_ =	swait.ge @!p0 [sflag:s0], s1  }
0x8c: {  	s1 =	ssub.s32 @!p0 $0x0, s1;
	[sflag:s0] =	ssyncset.done @!p0 $0x0  }
0x8d: {  	[sflag:s0] =	ssyncadd.s32 @!p0 s1  }
0x8e: {  	[bflag:$0x3] =	sbarrier.arrive $0xFFFF  }
0x8f: {  	_ =	shalt  }

// kernel: kernel.8.cloned.1.call-start
scs
__scs_entry_jumppad:
0x0: {  	(pc) =	sbr.rel $0x88, $3  }
0x1: {  	(tag) =	ssettag $0x0;
	lr =	simm.s32 $0x1  }
0x2: {  	[smem:$0x3F93] =	sst lr;
	_ =	strace $0xD0000000  }
0x3: {  	_ = 	snop  }
0x4: {  	_ = 	snop  }
0x5: {  	_ = 	snop  }
0x6: {  	_ = 	snop  }
0x7: {  	_ = 	snop  }
__scs_overlays_trampoline_lowered:
0x8: {  	[smem:$0x3FA2] =	sst s0  }
0x9: {  	[smem:$0x3FA3] =	sst s1  }
0xa: {  	[smem:$0x3FA4] =	sst s2  }
0xb: {  	[smem:$0x3FA5] =	sst s3  }
0xc: {  	[smem:$0x3FA6] =	sst s4  }
0xd: {  	[smem:$0x3FA7] =	sst s5  }
0xe: {  	[smem:$0x3FA8] =	sst s6  }
0xf: {  	[smem:$0x3FA9] =	sst s7  }
0x10: {  	[smem:$0x3FAA] =	sst s8  }
0x11: {  	[smem:$0x3FAB] =	sst s9;
	s0 =	simm.s32 @!p0 $0x0  }
0x12: {  	s1 =	sld [smem:$0x3F91];
	s0 =	simm.s32 @p0 $0x1  }
0x13: {  	[smem:$0x3FAC] =	sst s0;
	s0 =	simm.s32 @!p1 $0x0  }
0x14: {  	s2 =	sld [smem:$0x3F90];
	s0 =	simm.s32 @p1 $0x1  }
0x15: {  	[smem:$0x3FAD] =	sst s0;
	s0 =	simm.s32 @!p2 $0x0  }
0x16: {  	s3 =	sld [smem:$0x3FDB];
	s0 =	simm.s32 @p2 $0x1  }
0x17: {  	s4 =	simm.s32 $0x1BF5;
	[smem:$0x3FAF] =	sst s0  }
0x18: {  	s0 =	sld [smem:$0x3F92];
	_ =	swait.ge [sflag:s4], $0x0  }
0x19: {  	s7 =	sld [smem:$0x3F93]  }
0x1a: {  	s8 =	sadd.s32 $0xFFFFE003, lr  }
0x1b: {  	s9 =	sadd.s32 $0xFFFFFEF7, lr;
	s5 =	simm.s32 $0xFFFFFFFF;
	p2 =	slt.u32 s8, $0xFFFFF086  }
0x1c: {  	p1 =	slt.u32 s9, $0xF7A;
	s5 =	simm.s32 @!p2 $0x0  }
0x1d: {  	s5 =	simm.s32 @p1 $0x1;
	p0 =	seq.s32 s7, s2  }
0x1e: {  	s7 =	smul.u32 @!p0 $0xF7A, s2;
	p2 =	seq.s32 @!p0 s5, $0x0  }
0x1f: {  	s9 =	smul.u32 $0xF7A, s1;
	s8 =	simm.s32 @!p0 $0x1BF5;
	p2 =	por !p2, p0  }
0x20: {  	[sflag:s8] =	ssyncset.s32 @!p0 $0xFFFFF086;
	s6 =	sadd.s32 @!p0 s3, s7;
	s7 =	simm.s32 @!p0 $0x108  }
0x21: {  	s3 =	sadd.s32 s3, s9;
	s6 =	sadd.s32 @!p0 $0x88, s6;
	s7 =	simm.s32 @p2 $0x1082  }
0x22: {  	[simem:s7], [sflag:s8] =	dma.local @!p0 [hbm:s6], $0xF7A  }
0x23: {  	s9 =	sor.u32 $0xD0000000, s2;
	s6 =	simm.s32 $0x108;
	_ =	swait.ge @!p0 [sflag:s8], $0x0  }
0x24: {  	s3 =	sadd.s32 $0x88, s3;
	s6 =	simm.s32 @!p1 $0x1082;
	[sflag:s4] =	ssyncset.s32 $0xFFFFF086  }
0x25: {  	[simem:s6], [sflag:s4] =	dma.local [hbm:s3], $0xF7A  }
0x26: {  	[smem:$0x3F93] =	sst s1;
	(tag) =	ssettag s2;
	_ =	strace s9  }
0x27: {  	s1 =	sld [smem:$0x3FA3]  }
0x28: {  	s2 =	sld [smem:$0x3FA4]  }
0x29: {  	s4 =	sld [smem:$0x3FA6]  }
0x2a: {  	p0 =	seq.s32 s5, $0x0;
	s5 =	sld [smem:$0x3FA7]  }
0x2b: {  	s6 =	sld [smem:$0x3FA8]  }
0x2c: {  	s7 =	sld [smem:$0x3FA9]  }
0x2d: {  	s3 =	simm.s32 $0x108;
	s8 =	sld [smem:$0x3FAA]  }
0x2e: {  	s3 =	simm.s32 @!p0 $0x1082;
	s9 =	sld [smem:$0x3FAB]  }
0x2f: {  	lr =	sadd.s32 s0, s3;
	s0 =	sld [smem:$0x3FA2]  }
0x30: {  	s3 =	sld [smem:$0x3FA5]  }
0x31: {  	[smem:$0x3FAE] =	sst s10  }
0x32: {  	s10 =	sld [smem:$0x3FAC];
	_ =	sdelay $0x3  }
0x33: {  	p0 =	seq.s32 s10, $0x1;
	s10 =	sld [smem:$0x3FAE];
	_ =	sdelay $0x3  }
0x34: {  	[smem:$0x3FAE] =	sst s10  }
0x35: {  	s10 =	sld [smem:$0x3FAD];
	_ =	sdelay $0x3  }
0x36: {  	p1 =	seq.s32 s10, $0x1;
	s10 =	sld [smem:$0x3FAE];
	_ =	sdelay $0x3  }
0x37: {  	[smem:$0x3FAE] =	sst s10  }
0x38: {  	s10 =	sld [smem:$0x3FAF]  }
0x39: {  	_ = 	snop;
	(pc) =	sbr.ind lr, $3  }
0x3a: {  	_ = 	snop  }
0x3b: {  	_ = 	snop  }
0x3c: {  	p2 =	seq.s32 s10, $0x1;
	s10 =	sld [smem:$0x3FAE]  }
0x3d: {  	_ =	shalt  }
0x3e: {  	_ =	shalt  }
0x3f: {  	_ =	shalt  }
0x40: {  	_ =	shalt  }
0x41: {  	_ =	shalt  }
0x42: {  	_ =	shalt  }
0x43: {  	_ =	shalt  }
0x44: {  	_ =	shalt  }
0x45: {  	_ =	shalt  }
0x46: {  	_ =	shalt  }
0x47: {  	_ =	shalt  }
0x48: {  	_ =	shalt  }
0x49: {  	_ =	shalt  }
0x4a: {  	_ =	shalt  }
0x4b: {  	_ =	shalt  }
0x4c: {  	_ =	shalt  }
0x4d: {  	_ =	shalt  }
0x4e: {  	_ =	shalt  }
0x4f: {  	_ =	shalt  }
0x50: {  	_ =	shalt  }
0x51: {  	_ =	shalt  }
0x52: {  	_ =	shalt  }
0x53: {  	_ =	shalt  }
0x54: {  	_ =	shalt  }
0x55: {  	_ =	shalt  }
0x56: {  	_ =	shalt  }
0x57: {  	_ =	shalt  }
0x58: {  	_ =	shalt  }
0x59: {  	_ =	shalt  }
0x5a: {  	_ =	shalt  }
0x5b: {  	_ =	shalt  }
0x5c: {  	_ =	shalt  }
0x5d: {  	_ =	shalt  }
0x5e: {  	_ =	shalt  }
0x5f: {  	_ =	shalt  }
0x60: {  	_ =	shalt  }
0x61: {  	_ =	shalt  }
0x62: {  	_ =	shalt  }
0x63: {  	_ =	shalt  }
0x64: {  	_ =	shalt  }
0x65: {  	_ =	shalt  }
0x66: {  	_ =	shalt  }
0x67: {  	_ =	shalt  }
0x68: {  	_ =	shalt  }
0x69: {  	_ =	shalt  }
0x6a: {  	_ =	shalt  }
0x6b: {  	_ =	shalt  }
0x6c: {  	_ =	shalt  }
0x6d: {  	_ =	shalt  }
0x6e: {  	_ =	shalt  }
0x6f: {  	_ =	shalt  }
0x70: {  	_ =	shalt  }
0x71: {  	_ =	shalt  }
0x72: {  	_ =	shalt  }
0x73: {  	_ =	shalt  }
0x74: {  	_ =	shalt  }
0x75: {  	_ =	shalt  }
0x76: {  	_ =	shalt  }
0x77: {  	_ =	shalt  }
0x78: {  	_ =	shalt  }
0x79: {  	_ =	shalt  }
0x7a: {  	_ =	shalt  }
0x7b: {  	_ =	shalt  }
0x7c: {  	_ =	shalt  }
0x7d: {  	_ =	shalt  }
0x7e: {  	_ =	shalt  }
0x7f: {  	_ =	shalt  }
0x80: {  	_ =	shalt  }
0x81: {  	_ =	shalt  }
0x82: {  	_ =	shalt  }
0x83: {  	_ =	shalt  }
0x84: {  	_ =	shalt  }
0x85: {  	_ =	shalt  }
0x86: {  	_ =	shalt  }
0x87: {  	_ =	shalt  }
.Lfunc_end0:
.L_simem_size_0:
called_computation_lowered:
.L_overlay_start_0:
0x88: {  	s2 =	sld [smem:$0x3FD9]  }
0x89: {  	s3 =	sld [smem:$0x3FFE];
	_ =	sdelay $0x1  }
0x8a: {  	s1 =	srdreg.scid  }
0x8b: {  	s0 =	sand.u32 $0x1, s1  }
0x8c: {  	s16 =	sshll.u32 s0, $0xA;
	s2 =	sadd.s32 s3, s2  }
0x8d: {  	s2 =	sadd.s32 s2, s16  }
0x8e: {  	[smem:$0x3FBA] =	sst s2  }
0x8f: {  	_ = 	snop  }
0x90: {  	(tm) =	ssettm $0x1  }
0x91: {  	s17 =	sld [smem:$0x3FFB];
	_ =	sdelay $0x3  }
0x92: {  	_ =	strace s17  }
0x93: {  	s2 =	sld [smem:$0x3FFC];
	_ =	sdelay $0x3  }
0x94: {  	_ =	strace s2  }
0x95: {  	s2 =	sld [smem:$0x3FFD];
	_ =	sdelay $0x3  }
0x96: {  	_ =	strace s2  }
0x97: {  	_ =	strace $0x8FFFFFFF  }
0x98: {  	s18 =	sld [smem:$0x3FDB];
	_ =	sdelay $0x1  }
0x99: {  	s19 =	simm.s32 $_scs_section_size  }
0x9a: {  	s4 =	simm.s32 $_size__tile_overlayer_lowered;
	s5 =	simm.s32 $_tile_overlayer_lowered  }
0x9b: {  	s22 =	simm.s32 $0x1BFF;
	s21 =	sshll.u32 s5, $0x1;
	s2 =	sadd.s32 s19, s18  }
0x9c: {  	s6 =	simm.s32 $0x0;
	s20 =	sshll.u32 s4, $0x1;
	s4 =	sadd.s32 s21, s2  }
0x9d: {  	[timem:s6], [sflag:s22] =	dma.local [hbm:s4], s20  }
0x9e: {  	_ =	swait.ge [sflag:s22], s20  }
0x9f: {  	s3 =	ssub.s32 $0x0, s20;
	[sflag:s22] =	ssyncset.done $0x0  }
0xa0: {  	[sflag:s22] =	ssyncadd.s32 s3;
	_ =	sdelay $0x1  }
0xa1: {  	s23 =	simm.s32 $0x1B8B  }
0xa2: {  	_ =	swait.ge [sflag:s23], $0x1  }
0xa3: {  	[sflag:s23] =	ssyncset.done $0x0  }
0xa4: {  	s25 =	simm.s32 $0x1B8E;
	s24 =	sld [smem:$0x3FFE];
	[sflag:s23] =	ssyncadd.s32 $0xFFFFFFFF  }
0xa5: {  	s26 =	simm.s32 $execute0_lowered;
	[smem:$0x3FD2] =	sst s25  }
0xa6: {  	s4 =	sshll.u32 s26, $0x1;
	_ =	strace $0x80000046;
	[dreg:$0x1] =	wrdreg $0xFFFFFFFF  }
0xa7: {  	s28 =	simm.s32 $_size_execute0_lowered;
	s2 =	sadd.s32 s2, s4;
	[dreg:$0x0] =	wrdreg $0x0  }
0xa8: {  	s4 =	sshll.u32 s28, $0x1;
	[dreg:$0x2] =	wrdreg s2  }
0xa9: {  	[dreg:$0x3] =	wrdreg s4  }
0xaa: {  	[dreg:$0x4] =	wrdreg $0xC0  }
0xab: {  	_ =	task [dreg:s6], $0x5FFFF  }
0xac: {  	[dreg:$0x1] =	wrdreg $0xFFFFFFFF  }
0xad: {  	[dreg:$0x0] =	wrdreg $0x60  }
0xae: {  	[dreg:$0x2] =	wrdreg s24  }
0xaf: {  	[dreg:$0x3] =	wrdreg $0x9  }
0xb0: {  	_ =	task.clear_ibuf [dreg:s6], $0x4FFFF;
	_ =	strace $0x90000046  }
0xb1: {  	s29 =	simm.s32 $0x9;
	_ =	strace $0x80000048  }
0xb2: {  	_ =	swait.ge [sflag:s29], $0x1  }
0xb3: {  	[sflag:s29] =	ssyncadd.s32 $0xFFFFFFFF  }
0xb4: {  	_ =	strace $0x90000048  }
0xb5: {  	_ =	sfence  }
0xb6: {  	s30 =	sld [smem:$0x0];
	_ =	sdelay $0x2  }
0xb7: {  	s31 =	sshll.u32 s1, $0xD;
	s1 =	sshrl.u32 s1, $0x2  }
0xb8: {  	s3 =	sand.u32 $0x4000, s31;
	s1 =	sadd.s32 s1, s30  }
0xb9: {  	s0 =	sor.u32 s3, s0;
	s1 =	sshll.u32 s1, $0x11  }
0xba: {  	s0 =	sor.u32 s1, s0  }
0xbb: {  	s0 =	sadd.s32 $0x8F2B, s0  }
0xbc: {  	[sflag:s0] =	ssyncadd.remote.s32 $0x1  }
0xbd: {  	_ =	sfence.sel $0xFFFF  }
0xbe: {  	[dreg:$0x0] =	wrdreg $0xFFFFFFFF;
	(pc) =	sbr.abs _section_cstart, $3  }
0xbf: {  	[dreg:$0x1] =	wrdreg $0xFFFFFFFF  }
0xc0: {  	_ =	task.clear_ibuf [dreg:s6], $0x2FFFF;
	_ =	strace $0x9FFFFFFF  }
0xc1: {  	(tm) =	ssettm $0x7FFFFFFF  }
tec
execute0_lowered:
.L_overlay_start_1:
0x0: {  	(tag) =	ssettag $0x1  }
0x1: {  	s1 =	srdreg.scid;
	s0 =	stileid.u32  }
0x2: {  	s16 =	sand.u32 $0x1, s1;
	s26 =	sshll.u32 s0, $0x1  }
0x3: {  	s8 =	sor.u32 s16, s26  }
0x4: {  	s9 =	rddreg [dreg:$0x0];
	s17 =	smul.u32 $0x2800, s8  }
0x5: {  	s2 =	simm.s32 $0x0;
	s1 =	rddreg [dreg:$0x1]  }
0x6: {  	[smem:$0x7FF] =	sst s2;
	s15 =	sadd.s32 $0xC5C00, s9;
	s3 =	sshrl.u32 s17, $0x3  }
0x7: {  	_ =	strace $0x80000047;
	s4 =	sadd.s32 s15, s3;
	s3 =	simm.s32 $0x2  }
0x8: {  	[tilespmem:s2], [sflag:$0x2] =	stream.linear.gather [hbm4b:s4+s2], $0x800, $0x38;
	[tilespmem:$0x10800] =	vst v63  }
0x9: {  	_ =	swait.ge [sflag:s3], $0x800  }
0xa: {  	s6 =	simm.s32 $0x800;
	[sflag:s3] =	ssyncset.done $0x0  }
0xb: {  	s7 =	simm.s32 $0x1;
	s5 =	sadd.s32 $0xCFC00, s9;
	[sflag:s3] =	ssyncadd.s32 $0xFFFFF800  }
0xc: {  	[tilespmem:s6], [sflag:$0x1] =	stream.indirect.gather [hbm4b:s5+s6], $0x20, s2, s6, $0xb8;
	[tilespmem:$0x10800] =	vst v63  }
0xd: {  	s8 =	smul.u32 $0xA000, s8;
	_ =	swait.ge [sflag:s7], $0x10000  }
0xe: {  	s18 =	sadd.s32 $0x145C00, s9;
	[sflag:s7] =	ssyncset.done $0x0  }
0xf: {  	s8 =	sadd.s32 s18, s8;
	[sflag:s7] =	ssyncadd.s32 $0xFFFF0000  }
0x10: {  	[hbm4b:s8+s2] =	stream.linear.scatter [tilespmem:s6], [sflag:$0x2], $0x10000, $0x38;
	[tilespmem:$0x10800] =	vst v63  }
0x11: {  	s10 =	sadd.s32 $0x800, s17;
	_ =	swait.ge [sflag:s3], $0x10000  }
0x12: {  	s28 =	sshrl.u32 s10, $0x3;
	[sflag:s3] =	ssyncset.done $0x0  }
0x13: {  	s9 =	sadd.s32 s15, s28;
	[sflag:s3] =	ssyncadd.s32 $0xFFFF0000  }
0x14: {  	[tilespmem:s2], [sflag:$0x2] =	stream.linear.gather [hbm4b:s9+s2], $0x800, $0x38;
	[tilespmem:$0x10800] =	vst v63  }
0x15: {  	_ =	swait.ge [sflag:s3], $0x800  }
0x16: {  	[sflag:s3] =	ssyncset.done $0x0  }
0x17: {  	[sflag:s3] =	ssyncadd.s32 $0xFFFFF800  }
0x18: {  	[tilespmem:s6], [sflag:$0x1] =	stream.indirect.gather [hbm4b:s5+s6], $0x20, s2, s6, $0xb8;
	[tilespmem:$0x10800] =	vst v63  }
0x19: {  	_ =	swait.ge [sflag:s7], $0x10000  }
0x1a: {  	s10 =	sshll.u32 s10, $0x2;
	[sflag:s7] =	ssyncset.done $0x0  }
0x1b: {  	s10 =	sadd.s32 s18, s10;
	[sflag:s7] =	ssyncadd.s32 $0xFFFF0000  }
0x1c: {  	[hbm4b:s10+s2] =	stream.linear.scatter [tilespmem:s6], [sflag:$0x2], $0x10000, $0x38;
	[tilespmem:$0x10800] =	vst v63  }
0x1d: {  	s12 =	sadd.s32 $0x1000, s17;
	_ =	swait.ge [sflag:s3], $0x10000  }
0x1e: {  	s11 =	sshrl.u32 s12, $0x3;
	[sflag:s3] =	ssyncset.done $0x0  }
0x1f: {  	s11 =	sadd.s32 s15, s11;
	[sflag:s3] =	ssyncadd.s32 $0xFFFF0000  }
0x20: {  	[tilespmem:s2], [sflag:$0x2] =	stream.linear.gather [hbm4b:s11+s2], $0x800, $0x38;
	[tilespmem:$0x10800] =	vst v63  }
0x21: {  	_ =	swait.ge [sflag:s3], $0x800  }
0x22: {  	[sflag:s3] =	ssyncset.done $0x0  }
0x23: {  	[sflag:s3] =	ssyncadd.s32 $0xFFFFF800  }
0x24: {  	[tilespmem:s6], [sflag:$0x1] =	stream.indirect.gather [hbm4b:s5+s6], $0x20, s2, s6, $0xb8;
	[tilespmem:$0x10800] =	vst v63  }
0x25: {  	_ =	swait.ge [sflag:s7], $0x10000  }
0x26: {  	s12 =	sshll.u32 s12, $0x2;
	[sflag:s7] =	ssyncset.done $0x0  }
0x27: {  	s12 =	sadd.s32 s18, s12;
	[sflag:s7] =	ssyncadd.s32 $0xFFFF0000  }
0x28: {  	[hbm4b:s12+s2] =	stream.linear.scatter [tilespmem:s6], [sflag:$0x2], $0x10000, $0x38;
	[tilespmem:$0x10800] =	vst v63  }
0x29: {  	s14 =	sadd.s32 $0x1800, s17;
	_ =	swait.ge [sflag:s3], $0x10000  }
0x2a: {  	s13 =	sshrl.u32 s14, $0x3;
	[sflag:s3] =	ssyncset.done $0x0  }
0x2b: {  	s13 =	sadd.s32 s15, s13;
	[sflag:s3] =	ssyncadd.s32 $0xFFFF0000  }
0x2c: {  	[tilespmem:s2], [sflag:$0x2] =	stream.linear.gather [hbm4b:s13+s2], $0x800, $0x38;
	[tilespmem:$0x10800] =	vst v63  }
0x2d: {  	_ =	swait.ge [sflag:s3], $0x800  }
0x2e: {  	[sflag:s3] =	ssyncset.done $0x0  }
0x2f: {  	[sflag:s3] =	ssyncadd.s32 $0xFFFFF800  }
0x30: {  	[tilespmem:s6], [sflag:$0x1] =	stream.indirect.gather [hbm4b:s5+s6], $0x20, s2, s6, $0xb8;
	[tilespmem:$0x10800] =	vst v63  }
0x31: {  	_ =	swait.ge [sflag:s7], $0x10000  }
0x32: {  	s14 =	sshll.u32 s14, $0x2;
	[sflag:s7] =	ssyncset.done $0x0  }
0x33: {  	s14 =	sadd.s32 s18, s14;
	[sflag:s7] =	ssyncadd.s32 $0xFFFF0000  }
0x34: {  	[hbm4b:s14+s2] =	stream.linear.scatter [tilespmem:s6], [sflag:$0x2], $0x10000, $0x38;
	[tilespmem:$0x10800] =	vst v63  }
0x35: {  	s17 =	sadd.s32 $0x2000, s17;
	_ =	swait.ge [sflag:s3], $0x10000  }
0x36: {  	s19 =	sshrl.u32 s17, $0x3;
	[sflag:s3] =	ssyncset.done $0x0  }
0x37: {  	s16 =	ssub.s32 $0x2, s16;
	s15 =	sadd.s32 s15, s19;
	[sflag:s3] =	ssyncadd.s32 $0xFFFF0000  }
0x38: {  	[tilespmem:s2], [sflag:$0x2] =	stream.linear.gather [hbm4b:s15+s2], $0x800, $0x38;
	[tilespmem:$0x10800] =	vst v63  }
0x39: {  	s29 =	sshrl.u32 s16, $0x1;
	_ =	swait.ge [sflag:s3], $0x800  }
0x3a: {  	s19 =	ssub.s32 s16, s29;
	[sflag:s3] =	ssyncset.done $0x0  }
0x3b: {  	s31 =	smax.u32 s19, $0x1;
	[sflag:s3] =	ssyncadd.s32 $0xFFFFF800  }
0x3c: {  	[tilespmem:s6], [sflag:$0x1] =	stream.indirect.gather [hbm4b:s5+s6], $0x20, s2, s6, $0xb8;
	[tilespmem:$0x10800] =	vst v63  }
0x3d: {  	p0 =	sne.s32 s31, $0x1;
	_ =	swait.ge [sflag:s7], $0x10000  }
.Ltmp0:
0x3e: {  	s30 =	sshll.u32 s17, $0x2;
	[sflag:s7] =	ssyncset.done $0x0;
	(pc) =	sbr.rel @!p0 .LBB2_2-.Ltmp0, $4  }
0x3f: {  	s16 =	sadd.s32 s18, s30;
	[sflag:s7] =	ssyncadd.s32 $0xFFFF0000  }
0x40: {  	[hbm4b:s16+s2] =	stream.linear.scatter [tilespmem:s6], [sflag:$0x2], $0x10000, $0x38;
	[tilespmem:$0x10800] =	vst v63  }
0x41: {  	_ =	swait.ge [sflag:s3], $0x10000  }
0x42: {  	s17 =	sadd.s32 $0xFFFFFFFF, s31;
	[sflag:s3] =	ssyncset.done $0x0  }
.LBB2_1:
0x43: {  	p0 =	sne.s32 s17, $0x1;
	s17 =	sadd.s32 $0xFFFFFFFF, s17;
	[sflag:s3] =	ssyncadd.s32 $0xFFFF0000  }
0x44: {  	[tilespmem:s2], [sflag:$0x2] =	stream.linear.gather [hbm4b:s4+s2], $0x800, $0x38;
	[tilespmem:$0x10800] =	vst v63  }
0x45: {  	_ =	swait.ge [sflag:s3], $0x800  }
0x46: {  	[sflag:s3] =	ssyncset.done $0x0  }
0x47: {  	[sflag:s3] =	ssyncadd.s32 $0xFFFFF800  }
0x48: {  	[tilespmem:s6], [sflag:$0x1] =	stream.indirect.gather [hbm4b:s5+s6], $0x20, s2, s6, $0xb8;
	[tilespmem:$0x10800] =	vst v63  }
0x49: {  	_ =	swait.ge [sflag:s7], $0x10000  }
0x4a: {  	[sflag:s7] =	ssyncset.done $0x0  }
0x4b: {  	[sflag:s7] =	ssyncadd.s32 $0xFFFF0000  }
0x4c: {  	[hbm4b:s8+s2] =	stream.linear.scatter [tilespmem:s6], [sflag:$0x2], $0x10000, $0x38;
	[tilespmem:$0x10800] =	vst v63  }
0x4d: {  	_ =	swait.ge [sflag:s3], $0x10000  }
0x4e: {  	[sflag:s3] =	ssyncset.done $0x0  }
0x4f: {  	[sflag:s3] =	ssyncadd.s32 $0xFFFF0000  }
0x50: {  	[tilespmem:s2], [sflag:$0x2] =	stream.linear.gather [hbm4b:s9+s2], $0x800, $0x38;
	[tilespmem:$0x10800] =	vst v63  }
0x51: {  	_ =	swait.ge [sflag:s3], $0x800  }
0x52: {  	[sflag:s3] =	ssyncset.done $0x0  }
0x53: {  	[sflag:s3] =	ssyncadd.s32 $0xFFFFF800  }
0x54: {  	[tilespmem:s6], [sflag:$0x1] =	stream.indirect.gather [hbm4b:s5+s6], $0x20, s2, s6, $0xb8;
	[tilespmem:$0x10800] =	vst v63  }
0x55: {  	_ =	swait.ge [sflag:s7], $0x10000  }
0x56: {  	[sflag:s7] =	ssyncset.done $0x0  }
0x57: {  	[sflag:s7] =	ssyncadd.s32 $0xFFFF0000  }
0x58: {  	[hbm4b:s10+s2] =	stream.linear.scatter [tilespmem:s6], [sflag:$0x2], $0x10000, $0x38;
	[tilespmem:$0x10800] =	vst v63  }
0x59: {  	_ =	swait.ge [sflag:s3], $0x10000  }
0x5a: {  	[sflag:s3] =	ssyncset.done $0x0  }
0x5b: {  	[sflag:s3] =	ssyncadd.s32 $0xFFFF0000  }
0x5c: {  	[tilespmem:s2], [sflag:$0x2] =	stream.linear.gather [hbm4b:s11+s2], $0x800, $0x38;
	[tilespmem:$0x10800] =	vst v63  }
0x5d: {  	_ =	swait.ge [sflag:s3], $0x800  }
0x5e: {  	[sflag:s3] =	ssyncset.done $0x0  }
0x5f: {  	[sflag:s3] =	ssyncadd.s32 $0xFFFFF800  }
0x60: {  	[tilespmem:s6], [sflag:$0x1] =	stream.indirect.gather [hbm4b:s5+s6], $0x20, s2, s6, $0xb8;
	[tilespmem:$0x10800] =	vst v63  }
0x61: {  	_ =	swait.ge [sflag:s7], $0x10000  }
0x62: {  	[sflag:s7] =	ssyncset.done $0x0  }
0x63: {  	[sflag:s7] =	ssyncadd.s32 $0xFFFF0000  }
0x64: {  	[hbm4b:s12+s2] =	stream.linear.scatter [tilespmem:s6], [sflag:$0x2], $0x10000, $0x38;
	[tilespmem:$0x10800] =	vst v63  }
0x65: {  	_ =	swait.ge [sflag:s3], $0x10000  }
0x66: {  	[sflag:s3] =	ssyncset.done $0x0  }
0x67: {  	[sflag:s3] =	ssyncadd.s32 $0xFFFF0000  }
0x68: {  	[tilespmem:s2], [sflag:$0x2] =	stream.linear.gather [hbm4b:s13+s2], $0x800, $0x38;
	[tilespmem:$0x10800] =	vst v63  }
0x69: {  	_ =	swait.ge [sflag:s3], $0x800  }
0x6a: {  	[sflag:s3] =	ssyncset.done $0x0  }
0x6b: {  	[sflag:s3] =	ssyncadd.s32 $0xFFFFF800  }
0x6c: {  	[tilespmem:s6], [sflag:$0x1] =	stream.indirect.gather [hbm4b:s5+s6], $0x20, s2, s6, $0xb8;
	[tilespmem:$0x10800] =	vst v63  }
0x6d: {  	_ =	swait.ge [sflag:s7], $0x10000  }
0x6e: {  	[sflag:s7] =	ssyncset.done $0x0  }
0x6f: {  	[sflag:s7] =	ssyncadd.s32 $0xFFFF0000  }
0x70: {  	[hbm4b:s14+s2] =	stream.linear.scatter [tilespmem:s6], [sflag:$0x2], $0x10000, $0x38;
	[tilespmem:$0x10800] =	vst v63  }
0x71: {  	_ =	swait.ge [sflag:s3], $0x10000  }
0x72: {  	[sflag:s3] =	ssyncset.done $0x0  }
0x73: {  	[sflag:s3] =	ssyncadd.s32 $0xFFFF0000  }
0x74: {  	[tilespmem:s2], [sflag:$0x2] =	stream.linear.gather [hbm4b:s15+s2], $0x800, $0x38;
	[tilespmem:$0x10800] =	vst v63  }
0x75: {  	_ =	swait.ge [sflag:s3], $0x800  }
0x76: {  	[sflag:s3] =	ssyncset.done $0x0  }
0x77: {  	[sflag:s3] =	ssyncadd.s32 $0xFFFFF800  }
0x78: {  	[tilespmem:s6], [sflag:$0x1] =	stream.indirect.gather [hbm4b:s5+s6], $0x20, s2, s6, $0xb8;
	[tilespmem:$0x10800] =	vst v63  }
0x79: {  	_ =	swait.ge [sflag:s7], $0x10000  }
.Ltmp1:
0x7a: {  	[sflag:s7] =	ssyncset.done $0x0;
	(pc) =	sbr.rel @p0 .LBB2_1-.Ltmp1, $4  }
0x7b: {  	[sflag:s7] =	ssyncadd.s32 $0xFFFF0000  }
0x7c: {  	[hbm4b:s16+s2] =	stream.linear.scatter [tilespmem:s6], [sflag:$0x2], $0x10000, $0x38;
	[tilespmem:$0x10800] =	vst v63  }
0x7d: {  	_ =	swait.ge [sflag:s3], $0x10000  }
0x7e: {  	[sflag:s3] =	ssyncset.done $0x0  }
.LBB2_2:
0x7f: {  	[sflag:s3] =	ssyncadd.s32 $0xFFFF0000  }
0x80: {  	_ =	sfence.sel $0x180000  }
0x81: {  	[bflag:$0x0] =	sbarrier.arrive $0xFFFF  }
0x82: {  	p0 =	sne.s32 s0, $0x0;
	_ =	strace $0x90000047  }
0x83: {  	s0 =	sadd.s32 @!p0 $0x100000, s1;
	[bflag:$0x2] =	sbarrier.arrive $0xFFFF  }
0x84: {  	[sflag:s0] =	ssyncadd.tile.s32 @!p0 $0x1;
	_ =	shalt  }
.Lfunc_end2:
_tile_overlayer_lowered:
.L_overlay_start_2:
0x85: {  	(tag) =	ssettag $0x2  }
0x86: {  	s0 =	rddreg [dreg:$0x0];
	s2 =	stileid.u32  }
0x87: {  	s1 =	rddreg [dreg:$0x1];
	p0 =	sne.s32 s2, $0x0  }
0x88: {  	s3 =	rddreg [dreg:$0x2];
	[bflag:$0x3] =	sbarrier.arrive $0xFFFF;
	s2 =	simm.s32 @!p0 $0x1C02  }
0x89: {  	[timem:s3], [sflag:s2] =	dma.local @!p0 [hbm:s0], s1  }
0x8a: {  	s0 =	simm.s32 @!p0 $0x2  }
0x8b: {  	_ =	swait.ge @!p0 [sflag:s0], s1  }
0x8c: {  	s1 =	ssub.s32 @!p0 $0x0, s1;
	[sflag:s0] =	ssyncset.done @!p0 $0x0  }
0x8d: {  	[sflag:s0] =	ssyncadd.s32 @!p0 s1  }
0x8e: {  	[bflag:$0x3] =	sbarrier.arrive $0xFFFF  }
0x8f: {  	_ =	shalt  }

</sc_bundles>
